<compile_context>
chip_gen: v7x
topology: tpu7x:2x2x1
jax: 0.10.2.dev20260603
libtpu: 0.0.44.dev20260713+nightly
codegen_flags: <defaults>
</compile_context>

<pallas_src>
import functools

import jax
import jax.numpy as jnp
from jax import lax
from jax.experimental import pallas as pl
from jax.experimental.pallas import tpu as pltpu
from jax.experimental.pallas import tpu_sc as plsc

L = 16
KG = 8
SR = 8


@functools.lru_cache(maxsize=None)
def _build_permute(stripes: int, hw: int, chunk_stripes: int):
    info = plsc.get_sparse_core_info()
    nc, ns = info.num_cores, info.num_subcores
    nw = nc * ns
    assert stripes % (nw * chunk_stripes) == 0
    spw = stripes // nw
    nchunk = spw // chunk_stripes
    assert nchunk % 2 == 0
    nk = hw // L
    rows = chunk_stripes * SR

    mesh = plsc.VectorSubcoreMesh(core_axis_name="c", subcore_axis_name="s")

    @functools.partial(
        pl.kernel,
        mesh=mesh,
        out_type=jax.ShapeDtypeStruct((stripes, SR, hw), jnp.float32),
        scratch_types=[
            pltpu.VMEM((hw,), jnp.int32),
            pltpu.VMEM((2, chunk_stripes, SR, hw), jnp.float32),
            pltpu.VMEM((2, chunk_stripes, SR, hw), jnp.float32),
            pltpu.SemaphoreType.DMA,
            pltpu.SemaphoreType.DMA,
            pltpu.SemaphoreType.DMA,
            pltpu.SemaphoreType.DMA,
        ],
        compiler_params=pltpu.CompilerParams(
            needs_layout_passes=False, use_tc_tiling_on_sc=True
        ),
    )
    def permute(x_hbm, idx_hbm, out_hbm, idx_v, in_v, out_v,
                sin0, sin1, sout0, sout1):
        wid = lax.axis_index("s") * nc + lax.axis_index("c")
        base = wid * spw
        sins = (sin0, sin1)
        souts = (sout0, sout1)
        pltpu.sync_copy(idx_hbm, idx_v)

        def in_copy(ci, b):
            s0 = base + ci * chunk_stripes
            return pltpu.make_async_copy(
                x_hbm.at[pl.ds(s0, chunk_stripes)], in_v.at[b], sins[b]
            )

        def out_copy(ci, b):
            s0 = base + ci * chunk_stripes
            return pltpu.make_async_copy(
                out_v.at[b], out_hbm.at[pl.ds(s0, chunk_stripes)], souts[b]
            )

        def compute(b):
            def kbody(kb, c2):
                k0 = kb * KG
                idxs = [idx_v[pl.ds((k0 + j) * L, L)] for j in range(KG)]

                @plsc.parallel_loop(0, rows, unroll=2)
                def rbody(r):
                    s = r // SR
                    r8 = r % SR
                    sv = jnp.full((L,), s, jnp.int32)
                    rv = jnp.full((L,), r8, jnp.int32)
                    for j in range(KG):
                        vals = plsc.load_gather(in_v.at[b], [sv, rv, idxs[j]])
                        out_v[b, s, r8, pl.ds((k0 + j) * L, L)] = vals

                return c2

            lax.fori_loop(0, nk // KG, kbody, 0)

        in_copy(0, 0).start()

        def pipe_body(i2, carry):
            for ph in range(2):
                ci = i2 * 2 + ph
                in_copy(ci, ph).wait()

                @pl.when(ci + 1 < nchunk)
                def _():
                    in_copy(ci + 1, 1 - ph).start()

                @pl.when(ci >= 2)
                def _():
                    out_copy(ci - 2, ph).wait()

                compute(ph)
                out_copy(ci, ph).start()
            return carry

        lax.fori_loop(0, nchunk // 2, pipe_body, 0)
        out_copy(nchunk - 2, 0).wait()
        out_copy(nchunk - 1, 1).wait()

    return permute


def kernel(x, rd_index):
    b, c, hw = x.shape
    stripes = b * c // SR
    permute = _build_permute(stripes, hw, 3)
    out = permute(x.reshape(stripes, SR, hw), rd_index)
    return out.reshape(b, c, hw)

# --- scband reference (transcript-rebuilt; emitter-appended) ---
"""Pipeline reference for scband-fast-diag-scanv2-48696339202621 (READ-ONLY COPY).

The authoritative reference and input builder live on the scoring server;
editing this copy changes nothing except your own understanding.
"""

import jax, jax.numpy as jnp
import numpy as np


def build_diag_index(H, W, mode='rd'):
    index_map = []
    for d in range(H + W - 1):
        for i in range(H):
            j = d - i if mode == 'rd' else i - (H - 1 - d)
            if 0 <= j < W:
                index_map.append(i * W + j)
    return jnp.asarray(np.array(index_map, dtype=np.int32))


def setup_inputs(seed: int = 0) -> dict:
    key = jax.random.key(seed)
    B, C, H, W = 16, 384, 32, 32
    x = jax.random.normal(key, (B, C, H * W), dtype=jnp.float32)
    rd_index = build_diag_index(H, W, mode='rd')
    return {"x": x, "rd_index": rd_index}


def reference(x, rd_index):
    # torch.gather(x, 2, rd_index[None, None, :].expand(B, C, -1)) is a pure
    # reindexing along the last axis, identical for every (b, c) slice.
    rd = jnp.take(x, rd_index, axis=2)
    return rd

if __name__ == "__main__":
    import jax
    _d = setup_inputs()
    print(jax.jit(kernel)(*tuple(_d.values())))

</pallas_src>

<mosaic_0001>
#map = affine_map<(d0, d1) -> (0, 0, 0)>
#map1 = affine_map<(d0, d1) -> (0)>
module attributes {stable_mosaic.version = 14 : i64} {
  func.func @permute(%arg0: i32, %arg1: i32, %arg2: memref<768x8x1024xf32, #tpu.memory_space<hbm>>, %arg3: memref<1024xi32, #tpu.memory_space<hbm>>, %arg4: memref<768x8x1024xf32, #tpu.memory_space<hbm>>, %arg5: memref<1024xi32, #tpu.memory_space<vmem>>, %arg6: memref<2x3x8x1024xf32, #tpu.memory_space<vmem>>, %arg7: memref<2x3x8x1024xf32, #tpu.memory_space<vmem>>, %arg8: memref<!tpu.dma_semaphore, #tpu.memory_space<semaphore_mem>>, %arg9: memref<!tpu.dma_semaphore, #tpu.memory_space<semaphore_mem>>, %arg10: memref<!tpu.dma_semaphore, #tpu.memory_space<semaphore_mem>>, %arg11: memref<!tpu.dma_semaphore, #tpu.memory_space<semaphore_mem>>) attributes {dimension_semantics = [#tpu.dimension_semantics<core_parallel>, #tpu.dimension_semantics<subcore_parallel>], iteration_bounds = array<i64: 2, 16>, scalar_prefetch = 0 : i64, scratch_operands = 7 : i64, tpu.core_type = #tpu.core_type<sc_vector_subcore>, window_params = [{transform_indices = #map}, {transform_indices = #map1}, {transform_indices = #map}]} {
    %mul3A = arith.constant 2 : i32
    %mul3A_0 = arith.muli %arg1, %mul3A : i32
    %add3A = arith.addi %mul3A_0, %arg0 : i32
    %mul3A_1 = arith.constant 24 : i32
    %mul3A_2 = arith.muli %add3A, %mul3A_1 : i32
    "tpu.region"() ({
      %run_scoped3A = tpu.sem_alloc : memref<!tpu.dma_semaphore, #tpu.memory_space<semaphore_mem>>
      tpu.enqueue_dma source(%arg3 : memref<1024xi32, #tpu.memory_space<hbm>>) target(%arg5 : memref<1024xi32, #tpu.memory_space<vmem>>) target_semaphore(%run_scoped3A : memref<!tpu.dma_semaphore, #tpu.memory_space<semaphore_mem>>)
      tpu.wait_dma2 semaphore(%run_scoped3A : memref<!tpu.dma_semaphore, #tpu.memory_space<semaphore_mem>>) src(%arg3 : memref<1024xi32, #tpu.memory_space<hbm>>) dst(%arg5 : memref<1024xi32, #tpu.memory_space<vmem>>)
      tpu.yield
    }) : () -> ()
    %add3A_3 = arith.constant 0 : i32
    %add3A_4 = arith.addi %mul3A_2, %add3A_3 : i32
    %dma_start3A = arith.constant 0 : i32
    %dma_start3A_5 = arith.constant 0 : i32
    %dma_start3A_6 = arith.constant 0 : i32
    %dma_start3A_7 = arith.constant 0 : i32
    %dma_start3A_8 = tpu.memref_slice %arg6[%dma_start3A, %dma_start3A_5, %dma_start3A_6, %dma_start3A_7] : memref<2x3x8x1024xf32, #tpu.memory_space<vmem>> -> memref<1x3x8x1024xf32, #tpu.memory_space<vmem>>
    %dma_start3A_9 = tpu.memref_squeeze %dma_start3A_8 : memref<1x3x8x1024xf32, #tpu.memory_space<vmem>> -> memref<3x8x1024xf32, #tpu.memory_space<vmem>>
    %dma_start3A_10 = arith.constant 0 : i32
    %dma_start3A_11 = arith.constant 0 : i32
    %dma_start3A_12 = tpu.memref_slice %arg2[%add3A_4, %dma_start3A_10, %dma_start3A_11] : memref<768x8x1024xf32, #tpu.memory_space<hbm>> -> memref<3x8x1024xf32, #tpu.memory_space<hbm>>
    %dma_start3A_13 = arith.constant 0 : i32
    %dma_start3A_14 = arith.constant 0 : i32
    %dma_start3A_15 = arith.constant 0 : i32
    %dma_start3A_16 = tpu.memref_slice %arg6[%dma_start3A, %dma_start3A_13, %dma_start3A_14, %dma_start3A_15] : memref<2x3x8x1024xf32, #tpu.memory_space<vmem>> -> memref<1x3x8x1024xf32, #tpu.memory_space<vmem>>
    %dma_start3A_17 = tpu.memref_squeeze %dma_start3A_16 : memref<1x3x8x1024xf32, #tpu.memory_space<vmem>> -> memref<3x8x1024xf32, #tpu.memory_space<vmem>>
    %dma_start3A_18 = arith.constant 0 : i32
    %dma_start3A_19 = arith.constant 0 : i32
    %dma_start3A_20 = tpu.memref_slice %arg2[%add3A_4, %dma_start3A_18, %dma_start3A_19] : memref<768x8x1024xf32, #tpu.memory_space<hbm>> -> memref<3x8x1024xf32, #tpu.memory_space<hbm>>
    tpu.enqueue_dma source(%dma_start3A_20 : memref<3x8x1024xf32, #tpu.memory_space<hbm>>) target(%dma_start3A_17 : memref<3x8x1024xf32, #tpu.memory_space<vmem>>) target_semaphore(%arg8 : memref<!tpu.dma_semaphore, #tpu.memory_space<semaphore_mem>>)
    %scan3A = arith.constant 0 : i32
    %scan3A_21 = arith.constant 0 : i32
    %scan3A_22 = arith.constant 4 : i32
    %scan3A_23 = arith.addi %scan3A_21, %scan3A_22 : i32
    %scan3A_24 = arith.constant 1 : i32
    scf.for %scan3A_63 = %scan3A_21 to %scan3A_23 step %scan3A_24  : i32 {
      %mul3A_64 = arith.constant 2 : i32
      %mul3A_65 = arith.muli %scan3A_63, %mul3A_64 : i32
      %add3A_66 = arith.constant 0 : i32
      %add3A_67 = arith.addi %mul3A_65, %add3A_66 : i32
      %mul3A_68 = arith.constant 3 : i32
      %mul3A_69 = arith.muli %add3A_67, %mul3A_68 : i32
      %add3A_70 = arith.addi %mul3A_2, %mul3A_69 : i32
      %dma_wait3A_71 = arith.constant 0 : i32
      %dma_wait3A_72 = arith.constant 0 : i32
      %dma_wait3A_73 = arith.constant 0 : i32
      %dma_wait3A_74 = arith.constant 0 : i32
      %dma_wait3A_75 = tpu.memref_slice %arg6[%dma_wait3A_71, %dma_wait3A_72, %dma_wait3A_73, %dma_wait3A_74] : memref<2x3x8x1024xf32, #tpu.memory_space<vmem>> -> memref<1x3x8x1024xf32, #tpu.memory_space<vmem>>
      %dma_wait3A_76 = tpu.memref_squeeze %dma_wait3A_75 : memref<1x3x8x1024xf32, #tpu.memory_space<vmem>> -> memref<3x8x1024xf32, #tpu.memory_space<vmem>>
      %dma_wait3A_77 = arith.constant 0 : i32
      %dma_wait3A_78 = arith.constant 0 : i32
      %dma_wait3A_79 = tpu.memref_slice %arg2[%add3A_70, %dma_wait3A_77, %dma_wait3A_78] : memref<768x8x1024xf32, #tpu.memory_space<hbm>> -> memref<3x8x1024xf32, #tpu.memory_space<hbm>>
      %dma_wait3A_80 = arith.constant 0 : i32
      %dma_wait3A_81 = arith.constant 0 : i32
      %dma_wait3A_82 = arith.constant 0 : i32
      %dma_wait3A_83 = tpu.memref_slice %arg6[%dma_wait3A_71, %dma_wait3A_80, %dma_wait3A_81, %dma_wait3A_82] : memref<2x3x8x1024xf32, #tpu.memory_space<vmem>> -> memref<1x3x8x1024xf32, #tpu.memory_space<vmem>>
      %dma_wait3A_84 = tpu.memref_squeeze %dma_wait3A_83 : memref<1x3x8x1024xf32, #tpu.memory_space<vmem>> -> memref<3x8x1024xf32, #tpu.memory_space<vmem>>
      %dma_wait3A_85 = arith.constant 0 : i32
      %dma_wait3A_86 = arith.constant 0 : i32
      %dma_wait3A_87 = tpu.memref_slice %arg2[%add3A_70, %dma_wait3A_85, %dma_wait3A_86] : memref<768x8x1024xf32, #tpu.memory_space<hbm>> -> memref<3x8x1024xf32, #tpu.memory_space<hbm>>
      tpu.wait_dma2 semaphore(%arg8 : memref<!tpu.dma_semaphore, #tpu.memory_space<semaphore_mem>>) src(%dma_wait3A_87 : memref<3x8x1024xf32, #tpu.memory_space<hbm>>) dst(%dma_wait3A_84 : memref<3x8x1024xf32, #tpu.memory_space<vmem>>)
      %add3A_88 = arith.constant 1 : i32
      %add3A_89 = arith.addi %add3A_67, %add3A_88 : i32
      %lt3A = arith.constant 8 : i32
      %lt3A_90 = arith.cmpi slt, %add3A_89, %lt3A : i32
      %convert_element_type3A = arith.extui %lt3A_90 : i1 to i32
      %cond3A = arith.constant 0 : i32
      %cond3A_91 = arith.cmpi ne, %convert_element_type3A, %cond3A : i32
      scf.if %cond3A_91 {
        %add3A_184 = arith.constant 1 : i32
        %add3A_185 = arith.addi %add3A_67, %add3A_184 : i32
        %mul3A_186 = arith.constant 3 : i32
        %mul3A_187 = arith.muli %add3A_185, %mul3A_186 : i32
        %add3A_188 = arith.addi %mul3A_2, %mul3A_187 : i32
        %dma_start3A_189 = arith.constant 1 : i32
        %dma_start3A_190 = arith.constant 0 : i32
        %dma_start3A_191 = arith.constant 0 : i32
        %dma_start3A_192 = arith.constant 0 : i32
        %dma_start3A_193 = tpu.memref_slice %arg6[%dma_start3A_189, %dma_start3A_190, %dma_start3A_191, %dma_start3A_192] : memref<2x3x8x1024xf32, #tpu.memory_space<vmem>> -> memref<1x3x8x1024xf32, #tpu.memory_space<vmem>>
        %dma_start3A_194 = tpu.memref_squeeze %dma_start3A_193 : memref<1x3x8x1024xf32, #tpu.memory_space<vmem>> -> memref<3x8x1024xf32, #tpu.memory_space<vmem>>
        %dma_start3A_195 = arith.constant 0 : i32
        %dma_start3A_196 = arith.constant 0 : i32
        %dma_start3A_197 = tpu.memref_slice %arg2[%add3A_188, %dma_start3A_195, %dma_start3A_196] : memref<768x8x1024xf32, #tpu.memory_space<hbm>> -> memref<3x8x1024xf32, #tpu.memory_space<hbm>>
        %dma_start3A_198 = arith.constant 0 : i32
        %dma_start3A_199 = arith.constant 0 : i32
        %dma_start3A_200 = arith.constant 0 : i32
        %dma_start3A_201 = tpu.memref_slice %arg6[%dma_start3A_189, %dma_start3A_198, %dma_start3A_199, %dma_start3A_200] : memref<2x3x8x1024xf32, #tpu.memory_space<vmem>> -> memref<1x3x8x1024xf32, #tpu.memory_space<vmem>>
        %dma_start3A_202 = tpu.memref_squeeze %dma_start3A_201 : memref<1x3x8x1024xf32, #tpu.memory_space<vmem>> -> memref<3x8x1024xf32, #tpu.memory_space<vmem>>
        %dma_start3A_203 = arith.constant 0 : i32
        %dma_start3A_204 = arith.constant 0 : i32
        %dma_start3A_205 = tpu.memref_slice %arg2[%add3A_188, %dma_start3A_203, %dma_start3A_204] : memref<768x8x1024xf32, #tpu.memory_space<hbm>> -> memref<3x8x1024xf32, #tpu.memory_space<hbm>>
        tpu.enqueue_dma source(%dma_start3A_205 : memref<3x8x1024xf32, #tpu.memory_space<hbm>>) target(%dma_start3A_202 : memref<3x8x1024xf32, #tpu.memory_space<vmem>>) target_semaphore(%arg9 : memref<!tpu.dma_semaphore, #tpu.memory_space<semaphore_mem>>)
      } else {
      }
      %ge3A = arith.constant 2 : i32
      %ge3A_92 = arith.cmpi sge, %add3A_67, %ge3A : i32
      %convert_element_type3A_93 = arith.extui %ge3A_92 : i1 to i32
      %cond3A_94 = arith.constant 0 : i32
      %cond3A_95 = arith.cmpi ne, %convert_element_type3A_93, %cond3A_94 : i32
      scf.if %cond3A_95 {
        %sub3A = arith.constant 2 : i32
        %sub3A_184 = arith.subi %add3A_67, %sub3A : i32
        %mul3A_185 = arith.constant 3 : i32
        %mul3A_186 = arith.muli %sub3A_184, %mul3A_185 : i32
        %add3A_187 = arith.addi %mul3A_2, %mul3A_186 : i32
        %dma_wait3A_188 = arith.constant 0 : i32
        %dma_wait3A_189 = arith.constant 0 : i32
        %dma_wait3A_190 = arith.constant 0 : i32
        %dma_wait3A_191 = arith.constant 0 : i32
        %dma_wait3A_192 = tpu.memref_slice %arg7[%dma_wait3A_188, %dma_wait3A_189, %dma_wait3A_190, %dma_wait3A_191] : memref<2x3x8x1024xf32, #tpu.memory_space<vmem>> -> memref<1x3x8x1024xf32, #tpu.memory_space<vmem>>
        %dma_wait3A_193 = tpu.memref_squeeze %dma_wait3A_192 : memref<1x3x8x1024xf32, #tpu.memory_space<vmem>> -> memref<3x8x1024xf32, #tpu.memory_space<vmem>>
        %dma_wait3A_194 = arith.constant 0 : i32
        %dma_wait3A_195 = arith.constant 0 : i32
        %dma_wait3A_196 = tpu.memref_slice %arg4[%add3A_187, %dma_wait3A_194, %dma_wait3A_195] : memref<768x8x1024xf32, #tpu.memory_space<hbm>> -> memref<3x8x1024xf32, #tpu.memory_space<hbm>>
        %dma_wait3A_197 = arith.constant 0 : i32
        %dma_wait3A_198 = arith.constant 0 : i32
        %dma_wait3A_199 = tpu.memref_slice %arg4[%add3A_187, %dma_wait3A_197, %dma_wait3A_198] : memref<768x8x1024xf32, #tpu.memory_space<hbm>> -> memref<3x8x1024xf32, #tpu.memory_space<hbm>>
        %dma_wait3A_200 = arith.constant 0 : i32
        %dma_wait3A_201 = arith.constant 0 : i32
        %dma_wait3A_202 = arith.constant 0 : i32
        %dma_wait3A_203 = tpu.memref_slice %arg7[%dma_wait3A_188, %dma_wait3A_200, %dma_wait3A_201, %dma_wait3A_202] : memref<2x3x8x1024xf32, #tpu.memory_space<vmem>> -> memref<1x3x8x1024xf32, #tpu.memory_space<vmem>>
        %dma_wait3A_204 = tpu.memref_squeeze %dma_wait3A_203 : memref<1x3x8x1024xf32, #tpu.memory_space<vmem>> -> memref<3x8x1024xf32, #tpu.memory_space<vmem>>
        tpu.wait_dma2 semaphore(%arg10 : memref<!tpu.dma_semaphore, #tpu.memory_space<semaphore_mem>>) src(%dma_wait3A_204 : memref<3x8x1024xf32, #tpu.memory_space<vmem>>) dst(%dma_wait3A_199 : memref<3x8x1024xf32, #tpu.memory_space<hbm>>)
      } else {
      }
      %scan3A_96 = arith.constant 0 : i32
      %scan3A_97 = arith.constant 0 : i32
      %scan3A_98 = arith.constant 8 : i32
      %scan3A_99 = arith.addi %scan3A_97, %scan3A_98 : i32
      %scan3A_100 = arith.constant 1 : i32
      scf.for %scan3A_184 = %scan3A_97 to %scan3A_99 step %scan3A_100  : i32 {
        %mul3A_185 = arith.constant 8 : i32
        %mul3A_186 = arith.muli %scan3A_184, %mul3A_185 : i32
        %add3A_187 = arith.constant 0 : i32
        %add3A_188 = arith.addi %mul3A_186, %add3A_187 : i32
        %mul3A_189 = arith.constant 16 : i32
        %mul3A_190 = arith.muli %add3A_188, %mul3A_189 : i32
        %get3A = arith.index_cast %mul3A_190 : i32 to index
        %get3A_191 = tpu.vector_load %arg5[%get3A] {strides = array<i32>} : memref<1024xi32, #tpu.memory_space<vmem>>, vector<16xi32>,
        %add3A_192 = arith.constant 1 : i32
        %add3A_193 = arith.addi %mul3A_186, %add3A_192 : i32
        %mul3A_194 = arith.constant 16 : i32
        %mul3A_195 = arith.muli %add3A_193, %mul3A_194 : i32
        %get3A_196 = arith.index_cast %mul3A_195 : i32 to index
        %get3A_197 = tpu.vector_load %arg5[%get3A_196] {strides = array<i32>} : memref<1024xi32, #tpu.memory_space<vmem>>, vector<16xi32>,
        %add3A_198 = arith.constant 2 : i32
        %add3A_199 = arith.addi %mul3A_186, %add3A_198 : i32
        %mul3A_200 = arith.constant 16 : i32
        %mul3A_201 = arith.muli %add3A_199, %mul3A_200 : i32
        %get3A_202 = arith.index_cast %mul3A_201 : i32 to index
        %get3A_203 = tpu.vector_load %arg5[%get3A_202] {strides = array<i32>} : memref<1024xi32, #tpu.memory_space<vmem>>, vector<16xi32>,
        %add3A_204 = arith.constant 3 : i32
        %add3A_205 = arith.addi %mul3A_186, %add3A_204 : i32
        %mul3A_206 = arith.constant 16 : i32
        %mul3A_207 = arith.muli %add3A_205, %mul3A_206 : i32
        %get3A_208 = arith.index_cast %mul3A_207 : i32 to index
        %get3A_209 = tpu.vector_load %arg5[%get3A_208] {strides = array<i32>} : memref<1024xi32, #tpu.memory_space<vmem>>, vector<16xi32>,
        %add3A_210 = arith.constant 4 : i32
        %add3A_211 = arith.addi %mul3A_186, %add3A_210 : i32
        %mul3A_212 = arith.constant 16 : i32
        %mul3A_213 = arith.muli %add3A_211, %mul3A_212 : i32
        %get3A_214 = arith.index_cast %mul3A_213 : i32 to index
        %get3A_215 = tpu.vector_load %arg5[%get3A_214] {strides = array<i32>} : memref<1024xi32, #tpu.memory_space<vmem>>, vector<16xi32>,
        %add3A_216 = arith.constant 5 : i32
        %add3A_217 = arith.addi %mul3A_186, %add3A_216 : i32
        %mul3A_218 = arith.constant 16 : i32
        %mul3A_219 = arith.muli %add3A_217, %mul3A_218 : i32
        %get3A_220 = arith.index_cast %mul3A_219 : i32 to index
        %get3A_221 = tpu.vector_load %arg5[%get3A_220] {strides = array<i32>} : memref<1024xi32, #tpu.memory_space<vmem>>, vector<16xi32>,
        %add3A_222 = arith.constant 6 : i32
        %add3A_223 = arith.addi %mul3A_186, %add3A_222 : i32
        %mul3A_224 = arith.constant 16 : i32
        %mul3A_225 = arith.muli %add3A_223, %mul3A_224 : i32
        %get3A_226 = arith.index_cast %mul3A_225 : i32 to index
        %get3A_227 = tpu.vector_load %arg5[%get3A_226] {strides = array<i32>} : memref<1024xi32, #tpu.memory_space<vmem>>, vector<16xi32>,
        %add3A_228 = arith.constant 7 : i32
        %add3A_229 = arith.addi %mul3A_186, %add3A_228 : i32
        %mul3A_230 = arith.constant 16 : i32
        %mul3A_231 = arith.muli %add3A_229, %mul3A_230 : i32
        %get3A_232 = arith.index_cast %mul3A_231 : i32 to index
        %get3A_233 = tpu.vector_load %arg5[%get3A_232] {strides = array<i32>} : memref<1024xi32, #tpu.memory_space<vmem>>, vector<16xi32>,
        %parallel_loop3A = arith.constant 0 : i32
        %parallel_loop3A_234 = arith.constant 24 : i32
        %parallel_loop3A_235 = arith.constant 1 : i32
        scf.for %parallel_loop3A_236 = %parallel_loop3A to %parallel_loop3A_234 step %parallel_loop3A_235  : i32 {
          %parallel_loop3A_237 = arith.constant 8 : i32
          %parallel_loop3A_238 = arith.divsi %parallel_loop3A_236, %parallel_loop3A_237 : i32
          %parallel_loop3A_239 = arith.constant 0 : i32
          %parallel_loop3A_240 = arith.cmpi sgt, %parallel_loop3A_236, %parallel_loop3A_239 : i32
          %parallel_loop3A_241 = arith.extui %parallel_loop3A_240 : i1 to i32
          %parallel_loop3A_242 = arith.constant 0 : i32
          %parallel_loop3A_243 = arith.cmpi slt, %parallel_loop3A_236, %parallel_loop3A_242 : i32
          %parallel_loop3A_244 = arith.extui %parallel_loop3A_243 : i1 to i32
          %parallel_loop3A_245 = arith.subi %parallel_loop3A_241, %parallel_loop3A_244 : i32
          %parallel_loop3A_246 = arith.constant 0 : i32
          %parallel_loop3A_247 = arith.cmpi sgt, %parallel_loop3A_237, %parallel_loop3A_246 : i32
          %parallel_loop3A_248 = arith.extui %parallel_loop3A_247 : i1 to i32
          %parallel_loop3A_249 = arith.constant 0 : i32
          %parallel_loop3A_250 = arith.cmpi slt, %parallel_loop3A_237, %parallel_loop3A_249 : i32
          %parallel_loop3A_251 = arith.extui %parallel_loop3A_250 : i1 to i32
          %parallel_loop3A_252 = arith.subi %parallel_loop3A_248, %parallel_loop3A_251 : i32
          %parallel_loop3A_253 = arith.cmpi ne, %parallel_loop3A_245, %parallel_loop3A_252 : i32
          %parallel_loop3A_254 = arith.remsi %parallel_loop3A_236, %parallel_loop3A_237 : i32
          %parallel_loop3A_255 = arith.constant 0 : i32
          %parallel_loop3A_256 = arith.cmpi ne, %parallel_loop3A_254, %parallel_loop3A_255 : i32
          %parallel_loop3A_257 = arith.andi %parallel_loop3A_253, %parallel_loop3A_256 : i1
          %parallel_loop3A_258 = arith.constant 1 : i32
          %parallel_loop3A_259 = arith.subi %parallel_loop3A_238, %parallel_loop3A_258 : i32
          %parallel_loop3A_260 = arith.select %parallel_loop3A_257, %parallel_loop3A_259, %parallel_loop3A_238 : i32
          %parallel_loop3A_261 = arith.constant 8 : i32
          %parallel_loop3A_262 = arith.constant 0 : i32
          %parallel_loop3A_263 = arith.cmpi eq, %parallel_loop3A_261, %parallel_loop3A_262 : i32
          %parallel_loop3A_264 = arith.constant 1 : i32
          %parallel_loop3A_265 = arith.select %parallel_loop3A_263, %parallel_loop3A_264, %parallel_loop3A_261 : i32
          %parallel_loop3A_266 = arith.remsi %parallel_loop3A_236, %parallel_loop3A_265 : i32
          %parallel_loop3A_267 = arith.constant 0 : i32
          %parallel_loop3A_268 = arith.cmpi ne, %parallel_loop3A_266, %parallel_loop3A_267 : i32
          %parallel_loop3A_269 = arith.constant 0 : i32
          %parallel_loop3A_270 = arith.cmpi slt, %parallel_loop3A_266, %parallel_loop3A_269 : i32
          %parallel_loop3A_271 = arith.constant 0 : i32
          %parallel_loop3A_272 = arith.cmpi slt, %parallel_loop3A_265, %parallel_loop3A_271 : i32
          %parallel_loop3A_273 = arith.xori %parallel_loop3A_270, %parallel_loop3A_272 : i1
          %parallel_loop3A_274 = arith.andi %parallel_loop3A_273, %parallel_loop3A_268 : i1
          %parallel_loop3A_275 = arith.addi %parallel_loop3A_266, %parallel_loop3A_265 : i32
          %parallel_loop3A_276 = arith.select %parallel_loop3A_274, %parallel_loop3A_275, %parallel_loop3A_266 : i32
          %parallel_loop3A_277 = vector.broadcast %parallel_loop3A_260 : i32 to vector<16xi32>
          %parallel_loop3A_278 = vector.broadcast %parallel_loop3A_276 : i32 to vector<16xi32>
          %parallel_loop3A_279 = arith.constant 0 : i32
          %parallel_loop3A_280 = arith.constant 0 : i32
          %parallel_loop3A_281 = arith.constant 0 : i32
          %parallel_loop3A_282 = arith.constant 0 : i32
          %parallel_loop3A_283 = tpu.memref_slice %arg6[%parallel_loop3A_279, %parallel_loop3A_280, %parallel_loop3A_281, %parallel_loop3A_282] : memref<2x3x8x1024xf32, #tpu.memory_space<vmem>> -> memref<1x3x8x1024xf32, #tpu.memory_space<vmem>>
          %parallel_loop3A_284 = tpu.memref_squeeze %parallel_loop3A_283 : memref<1x3x8x1024xf32, #tpu.memory_space<vmem>> -> memref<3x8x1024xf32, #tpu.memory_space<vmem>>
          %parallel_loop3A_285 = tpu.vector_load_idx %parallel_loop3A_284[%parallel_loop3A_277, %parallel_loop3A_278, %get3A_191] : memref<3x8x1024xf32, #tpu.memory_space<vmem>>[vector<16xi32>, vector<16xi32>, vector<16xi32>], vector<16xf32>,
          %parallel_loop3A_286 = arith.constant 0 : i32
          %parallel_loop3A_287 = arith.addi %mul3A_186, %parallel_loop3A_286 : i32
          %parallel_loop3A_288 = arith.constant 16 : i32
          %parallel_loop3A_289 = arith.muli %parallel_loop3A_287, %parallel_loop3A_288 : i32
          %parallel_loop3A_290 = arith.constant 0 : i32
          %parallel_loop3A_291 = arith.index_cast %parallel_loop3A_290 : i32 to index
          %parallel_loop3A_292 = arith.index_cast %parallel_loop3A_260 : i32 to index
          %parallel_loop3A_293 = arith.index_cast %parallel_loop3A_276 : i32 to index
          %parallel_loop3A_294 = arith.index_cast %parallel_loop3A_289 : i32 to index
          %parallel_loop3A_295 = tpu.vector_load %arg7[%parallel_loop3A_291, %parallel_loop3A_292, %parallel_loop3A_293, %parallel_loop3A_294] {strides = array<i32>} : memref<2x3x8x1024xf32, #tpu.memory_space<vmem>>, vector<16xf32>,
          tpu.vector_store %arg7[%parallel_loop3A_291, %parallel_loop3A_292, %parallel_loop3A_293, %parallel_loop3A_294], %parallel_loop3A_285 {strides = array<i32>} : memref<2x3x8x1024xf32, #tpu.memory_space<vmem>>, vector<16xf32>,
          %parallel_loop3A_296 = arith.constant 0 : i32
          %parallel_loop3A_297 = arith.constant 0 : i32
          %parallel_loop3A_298 = arith.constant 0 : i32
          %parallel_loop3A_299 = arith.constant 0 : i32
          %parallel_loop3A_300 = tpu.memref_slice %arg6[%parallel_loop3A_296, %parallel_loop3A_297, %parallel_loop3A_298, %parallel_loop3A_299] : memref<2x3x8x1024xf32, #tpu.memory_space<vmem>> -> memref<1x3x8x1024xf32, #tpu.memory_space<vmem>>
          %parallel_loop3A_301 = tpu.memref_squeeze %parallel_loop3A_300 : memref<1x3x8x1024xf32, #tpu.memory_space<vmem>> -> memref<3x8x1024xf32, #tpu.memory_space<vmem>>
          %parallel_loop3A_302 = tpu.vector_load_idx %parallel_loop3A_301[%parallel_loop3A_277, %parallel_loop3A_278, %get3A_197] : memref<3x8x1024xf32, #tpu.memory_space<vmem>>[vector<16xi32>, vector<16xi32>, vector<16xi32>], vector<16xf32>,
          %parallel_loop3A_303 = arith.constant 1 : i32
          %parallel_loop3A_304 = arith.addi %mul3A_186, %parallel_loop3A_303 : i32
          %parallel_loop3A_305 = arith.constant 16 : i32
          %parallel_loop3A_306 = arith.muli %parallel_loop3A_304, %parallel_loop3A_305 : i32
          %parallel_loop3A_307 = arith.constant 0 : i32
          %parallel_loop3A_308 = arith.index_cast %parallel_loop3A_307 : i32 to index
          %parallel_loop3A_309 = arith.index_cast %parallel_loop3A_260 : i32 to index
          %parallel_loop3A_310 = arith.index_cast %parallel_loop3A_276 : i32 to index
          %parallel_loop3A_311 = arith.index_cast %parallel_loop3A_306 : i32 to index
          %parallel_loop3A_312 = tpu.vector_load %arg7[%parallel_loop3A_308, %parallel_loop3A_309, %parallel_loop3A_310, %parallel_loop3A_311] {strides = array<i32>} : memref<2x3x8x1024xf32, #tpu.memory_space<vmem>>, vector<16xf32>,
          tpu.vector_store %arg7[%parallel_loop3A_308, %parallel_loop3A_309, %parallel_loop3A_310, %parallel_loop3A_311], %parallel_loop3A_302 {strides = array<i32>} : memref<2x3x8x1024xf32, #tpu.memory_space<vmem>>, vector<16xf32>,
          %parallel_loop3A_313 = arith.constant 0 : i32
          %parallel_loop3A_314 = arith.constant 0 : i32
          %parallel_loop3A_315 = arith.constant 0 : i32
          %parallel_loop3A_316 = arith.constant 0 : i32
          %parallel_loop3A_317 = tpu.memref_slice %arg6[%parallel_loop3A_313, %parallel_loop3A_314, %parallel_loop3A_315, %parallel_loop3A_316] : memref<2x3x8x1024xf32, #tpu.memory_space<vmem>> -> memref<1x3x8x1024xf32, #tpu.memory_space<vmem>>
          %parallel_loop3A_318 = tpu.memref_squeeze %parallel_loop3A_317 : memref<1x3x8x1024xf32, #tpu.memory_space<vmem>> -> memref<3x8x1024xf32, #tpu.memory_space<vmem>>
          %parallel_loop3A_319 = tpu.vector_load_idx %parallel_loop3A_318[%parallel_loop3A_277, %parallel_loop3A_278, %get3A_203] : memref<3x8x1024xf32, #tpu.memory_space<vmem>>[vector<16xi32>, vector<16xi32>, vector<16xi32>], vector<16xf32>,
          %parallel_loop3A_320 = arith.constant 2 : i32
          %parallel_loop3A_321 = arith.addi %mul3A_186, %parallel_loop3A_320 : i32
          %parallel_loop3A_322 = arith.constant 16 : i32
          %parallel_loop3A_323 = arith.muli %parallel_loop3A_321, %parallel_loop3A_322 : i32
          %parallel_loop3A_324 = arith.constant 0 : i32
          %parallel_loop3A_325 = arith.index_cast %parallel_loop3A_324 : i32 to index
          %parallel_loop3A_326 = arith.index_cast %parallel_loop3A_260 : i32 to index
          %parallel_loop3A_327 = arith.index_cast %parallel_loop3A_276 : i32 to index
          %parallel_loop3A_328 = arith.index_cast %parallel_loop3A_323 : i32 to index
          %parallel_loop3A_329 = tpu.vector_load %arg7[%parallel_loop3A_325, %parallel_loop3A_326, %parallel_loop3A_327, %parallel_loop3A_328] {strides = array<i32>} : memref<2x3x8x1024xf32, #tpu.memory_space<vmem>>, vector<16xf32>,
          tpu.vector_store %arg7[%parallel_loop3A_325, %parallel_loop3A_326, %parallel_loop3A_327, %parallel_loop3A_328], %parallel_loop3A_319 {strides = array<i32>} : memref<2x3x8x1024xf32, #tpu.memory_space<vmem>>, vector<16xf32>,
          %parallel_loop3A_330 = arith.constant 0 : i32
          %parallel_loop3A_331 = arith.constant 0 : i32
          %parallel_loop3A_332 = arith.constant 0 : i32
          %parallel_loop3A_333 = arith.constant 0 : i32
          %parallel_loop3A_334 = tpu.memref_slice %arg6[%parallel_loop3A_330, %parallel_loop3A_331, %parallel_loop3A_332, %parallel_loop3A_333] : memref<2x3x8x1024xf32, #tpu.memory_space<vmem>> -> memref<1x3x8x1024xf32, #tpu.memory_space<vmem>>
          %parallel_loop3A_335 = tpu.memref_squeeze %parallel_loop3A_334 : memref<1x3x8x1024xf32, #tpu.memory_space<vmem>> -> memref<3x8x1024xf32, #tpu.memory_space<vmem>>
          %parallel_loop3A_336 = tpu.vector_load_idx %parallel_loop3A_335[%parallel_loop3A_277, %parallel_loop3A_278, %get3A_209] : memref<3x8x1024xf32, #tpu.memory_space<vmem>>[vector<16xi32>, vector<16xi32>, vector<16xi32>], vector<16xf32>,
          %parallel_loop3A_337 = arith.constant 3 : i32
          %parallel_loop3A_338 = arith.addi %mul3A_186, %parallel_loop3A_337 : i32
          %parallel_loop3A_339 = arith.constant 16 : i32
          %parallel_loop3A_340 = arith.muli %parallel_loop3A_338, %parallel_loop3A_339 : i32
          %parallel_loop3A_341 = arith.constant 0 : i32
          %parallel_loop3A_342 = arith.index_cast %parallel_loop3A_341 : i32 to index
          %parallel_loop3A_343 = arith.index_cast %parallel_loop3A_260 : i32 to index
          %parallel_loop3A_344 = arith.index_cast %parallel_loop3A_276 : i32 to index
          %parallel_loop3A_345 = arith.index_cast %parallel_loop3A_340 : i32 to index
          %parallel_loop3A_346 = tpu.vector_load %arg7[%parallel_loop3A_342, %parallel_loop3A_343, %parallel_loop3A_344, %parallel_loop3A_345] {strides = array<i32>} : memref<2x3x8x1024xf32, #tpu.memory_space<vmem>>, vector<16xf32>,
          tpu.vector_store %arg7[%parallel_loop3A_342, %parallel_loop3A_343, %parallel_loop3A_344, %parallel_loop3A_345], %parallel_loop3A_336 {strides = array<i32>} : memref<2x3x8x1024xf32, #tpu.memory_space<vmem>>, vector<16xf32>,
          %parallel_loop3A_347 = arith.constant 0 : i32
          %parallel_loop3A_348 = arith.constant 0 : i32
          %parallel_loop3A_349 = arith.constant 0 : i32
          %parallel_loop3A_350 = arith.constant 0 : i32
          %parallel_loop3A_351 = tpu.memref_slice %arg6[%parallel_loop3A_347, %parallel_loop3A_348, %parallel_loop3A_349, %parallel_loop3A_350] : memref<2x3x8x1024xf32, #tpu.memory_space<vmem>> -> memref<1x3x8x1024xf32, #tpu.memory_space<vmem>>
          %parallel_loop3A_352 = tpu.memref_squeeze %parallel_loop3A_351 : memref<1x3x8x1024xf32, #tpu.memory_space<vmem>> -> memref<3x8x1024xf32, #tpu.memory_space<vmem>>
          %parallel_loop3A_353 = tpu.vector_load_idx %parallel_loop3A_352[%parallel_loop3A_277, %parallel_loop3A_278, %get3A_215] : memref<3x8x1024xf32, #tpu.memory_space<vmem>>[vector<16xi32>, vector<16xi32>, vector<16xi32>], vector<16xf32>,
          %parallel_loop3A_354 = arith.constant 4 : i32
          %parallel_loop3A_355 = arith.addi %mul3A_186, %parallel_loop3A_354 : i32
          %parallel_loop3A_356 = arith.constant 16 : i32
          %parallel_loop3A_357 = arith.muli %parallel_loop3A_355, %parallel_loop3A_356 : i32
          %parallel_loop3A_358 = arith.constant 0 : i32
          %parallel_loop3A_359 = arith.index_cast %parallel_loop3A_358 : i32 to index
          %parallel_loop3A_360 = arith.index_cast %parallel_loop3A_260 : i32 to index
          %parallel_loop3A_361 = arith.index_cast %parallel_loop3A_276 : i32 to index
          %parallel_loop3A_362 = arith.index_cast %parallel_loop3A_357 : i32 to index
          %parallel_loop3A_363 = tpu.vector_load %arg7[%parallel_loop3A_359, %parallel_loop3A_360, %parallel_loop3A_361, %parallel_loop3A_362] {strides = array<i32>} : memref<2x3x8x1024xf32, #tpu.memory_space<vmem>>, vector<16xf32>,
          tpu.vector_store %arg7[%parallel_loop3A_359, %parallel_loop3A_360, %parallel_loop3A_361, %parallel_loop3A_362], %parallel_loop3A_353 {strides = array<i32>} : memref<2x3x8x1024xf32, #tpu.memory_space<vmem>>, vector<16xf32>,
          %parallel_loop3A_364 = arith.constant 0 : i32
          %parallel_loop3A_365 = arith.constant 0 : i32
          %parallel_loop3A_366 = arith.constant 0 : i32
          %parallel_loop3A_367 = arith.constant 0 : i32
          %parallel_loop3A_368 = tpu.memref_slice %arg6[%parallel_loop3A_364, %parallel_loop3A_365, %parallel_loop3A_366, %parallel_loop3A_367] : memref<2x3x8x1024xf32, #tpu.memory_space<vmem>> -> memref<1x3x8x1024xf32, #tpu.memory_space<vmem>>
          %parallel_loop3A_369 = tpu.memref_squeeze %parallel_loop3A_368 : memref<1x3x8x1024xf32, #tpu.memory_space<vmem>> -> memref<3x8x1024xf32, #tpu.memory_space<vmem>>
          %parallel_loop3A_370 = tpu.vector_load_idx %parallel_loop3A_369[%parallel_loop3A_277, %parallel_loop3A_278, %get3A_221] : memref<3x8x1024xf32, #tpu.memory_space<vmem>>[vector<16xi32>, vector<16xi32>, vector<16xi32>], vector<16xf32>,
          %parallel_loop3A_371 = arith.constant 5 : i32
          %parallel_loop3A_372 = arith.addi %mul3A_186, %parallel_loop3A_371 : i32
          %parallel_loop3A_373 = arith.constant 16 : i32
          %parallel_loop3A_374 = arith.muli %parallel_loop3A_372, %parallel_loop3A_373 : i32
          %parallel_loop3A_375 = arith.constant 0 : i32
          %parallel_loop3A_376 = arith.index_cast %parallel_loop3A_375 : i32 to index
          %parallel_loop3A_377 = arith.index_cast %parallel_loop3A_260 : i32 to index
          %parallel_loop3A_378 = arith.index_cast %parallel_loop3A_276 : i32 to index
          %parallel_loop3A_379 = arith.index_cast %parallel_loop3A_374 : i32 to index
          %parallel_loop3A_380 = tpu.vector_load %arg7[%parallel_loop3A_376, %parallel_loop3A_377, %parallel_loop3A_378, %parallel_loop3A_379] {strides = array<i32>} : memref<2x3x8x1024xf32, #tpu.memory_space<vmem>>, vector<16xf32>,
          tpu.vector_store %arg7[%parallel_loop3A_376, %parallel_loop3A_377, %parallel_loop3A_378, %parallel_loop3A_379], %parallel_loop3A_370 {strides = array<i32>} : memref<2x3x8x1024xf32, #tpu.memory_space<vmem>>, vector<16xf32>,
          %parallel_loop3A_381 = arith.constant 0 : i32
          %parallel_loop3A_382 = arith.constant 0 : i32
          %parallel_loop3A_383 = arith.constant 0 : i32
          %parallel_loop3A_384 = arith.constant 0 : i32
          %parallel_loop3A_385 = tpu.memref_slice %arg6[%parallel_loop3A_381, %parallel_loop3A_382, %parallel_loop3A_383, %parallel_loop3A_384] : memref<2x3x8x1024xf32, #tpu.memory_space<vmem>> -> memref<1x3x8x1024xf32, #tpu.memory_space<vmem>>
          %parallel_loop3A_386 = tpu.memref_squeeze %parallel_loop3A_385 : memref<1x3x8x1024xf32, #tpu.memory_space<vmem>> -> memref<3x8x1024xf32, #tpu.memory_space<vmem>>
          %parallel_loop3A_387 = tpu.vector_load_idx %parallel_loop3A_386[%parallel_loop3A_277, %parallel_loop3A_278, %get3A_227] : memref<3x8x1024xf32, #tpu.memory_space<vmem>>[vector<16xi32>, vector<16xi32>, vector<16xi32>], vector<16xf32>,
          %parallel_loop3A_388 = arith.constant 6 : i32
          %parallel_loop3A_389 = arith.addi %mul3A_186, %parallel_loop3A_388 : i32
          %parallel_loop3A_390 = arith.constant 16 : i32
          %parallel_loop3A_391 = arith.muli %parallel_loop3A_389, %parallel_loop3A_390 : i32
          %parallel_loop3A_392 = arith.constant 0 : i32
          %parallel_loop3A_393 = arith.index_cast %parallel_loop3A_392 : i32 to index
          %parallel_loop3A_394 = arith.index_cast %parallel_loop3A_260 : i32 to index
          %parallel_loop3A_395 = arith.index_cast %parallel_loop3A_276 : i32 to index
          %parallel_loop3A_396 = arith.index_cast %parallel_loop3A_391 : i32 to index
          %parallel_loop3A_397 = tpu.vector_load %arg7[%parallel_loop3A_393, %parallel_loop3A_394, %parallel_loop3A_395, %parallel_loop3A_396] {strides = array<i32>} : memref<2x3x8x1024xf32, #tpu.memory_space<vmem>>, vector<16xf32>,
          tpu.vector_store %arg7[%parallel_loop3A_393, %parallel_loop3A_394, %parallel_loop3A_395, %parallel_loop3A_396], %parallel_loop3A_387 {strides = array<i32>} : memref<2x3x8x1024xf32, #tpu.memory_space<vmem>>, vector<16xf32>,
          %parallel_loop3A_398 = arith.constant 0 : i32
          %parallel_loop3A_399 = arith.constant 0 : i32
          %parallel_loop3A_400 = arith.constant 0 : i32
          %parallel_loop3A_401 = arith.constant 0 : i32
          %parallel_loop3A_402 = tpu.memref_slice %arg6[%parallel_loop3A_398, %parallel_loop3A_399, %parallel_loop3A_400, %parallel_loop3A_401] : memref<2x3x8x1024xf32, #tpu.memory_space<vmem>> -> memref<1x3x8x1024xf32, #tpu.memory_space<vmem>>
          %parallel_loop3A_403 = tpu.memref_squeeze %parallel_loop3A_402 : memref<1x3x8x1024xf32, #tpu.memory_space<vmem>> -> memref<3x8x1024xf32, #tpu.memory_space<vmem>>
          %parallel_loop3A_404 = tpu.vector_load_idx %parallel_loop3A_403[%parallel_loop3A_277, %parallel_loop3A_278, %get3A_233] : memref<3x8x1024xf32, #tpu.memory_space<vmem>>[vector<16xi32>, vector<16xi32>, vector<16xi32>], vector<16xf32>,
          %parallel_loop3A_405 = arith.constant 7 : i32
          %parallel_loop3A_406 = arith.addi %mul3A_186, %parallel_loop3A_405 : i32
          %parallel_loop3A_407 = arith.constant 16 : i32
          %parallel_loop3A_408 = arith.muli %parallel_loop3A_406, %parallel_loop3A_407 : i32
          %parallel_loop3A_409 = arith.constant 0 : i32
          %parallel_loop3A_410 = arith.index_cast %parallel_loop3A_409 : i32 to index
          %parallel_loop3A_411 = arith.index_cast %parallel_loop3A_260 : i32 to index
          %parallel_loop3A_412 = arith.index_cast %parallel_loop3A_276 : i32 to index
          %parallel_loop3A_413 = arith.index_cast %parallel_loop3A_408 : i32 to index
          %parallel_loop3A_414 = tpu.vector_load %arg7[%parallel_loop3A_410, %parallel_loop3A_411, %parallel_loop3A_412, %parallel_loop3A_413] {strides = array<i32>} : memref<2x3x8x1024xf32, #tpu.memory_space<vmem>>, vector<16xf32>,
          tpu.vector_store %arg7[%parallel_loop3A_410, %parallel_loop3A_411, %parallel_loop3A_412, %parallel_loop3A_413], %parallel_loop3A_404 {strides = array<i32>} : memref<2x3x8x1024xf32, #tpu.memory_space<vmem>>, vector<16xf32>,
        } {sc.loop_unroll_factor = 2 : i64, sc.parallel_access}
      }
      %scan3A_101 = arith.constant 8 : i32
      %mul3A_102 = arith.constant 3 : i32
      %mul3A_103 = arith.muli %add3A_67, %mul3A_102 : i32
      %add3A_104 = arith.addi %mul3A_2, %mul3A_103 : i32
      %dma_start3A_105 = arith.constant 0 : i32
      %dma_start3A_106 = arith.constant 0 : i32
      %dma_start3A_107 = arith.constant 0 : i32
      %dma_start3A_108 = arith.constant 0 : i32
      %dma_start3A_109 = tpu.memref_slice %arg7[%dma_start3A_105, %dma_start3A_106, %dma_start3A_107, %dma_start3A_108] : memref<2x3x8x1024xf32, #tpu.memory_space<vmem>> -> memref<1x3x8x1024xf32, #tpu.memory_space<vmem>>
      %dma_start3A_110 = tpu.memref_squeeze %dma_start3A_109 : memref<1x3x8x1024xf32, #tpu.memory_space<vmem>> -> memref<3x8x1024xf32, #tpu.memory_space<vmem>>
      %dma_start3A_111 = arith.constant 0 : i32
      %dma_start3A_112 = arith.constant 0 : i32
      %dma_start3A_113 = tpu.memref_slice %arg4[%add3A_104, %dma_start3A_111, %dma_start3A_112] : memref<768x8x1024xf32, #tpu.memory_space<hbm>> -> memref<3x8x1024xf32, #tpu.memory_space<hbm>>
      %dma_start3A_114 = arith.constant 0 : i32
      %dma_start3A_115 = arith.constant 0 : i32
      %dma_start3A_116 = tpu.memref_slice %arg4[%add3A_104, %dma_start3A_114, %dma_start3A_115] : memref<768x8x1024xf32, #tpu.memory_space<hbm>> -> memref<3x8x1024xf32, #tpu.memory_space<hbm>>
      %dma_start3A_117 = arith.constant 0 : i32
      %dma_start3A_118 = arith.constant 0 : i32
      %dma_start3A_119 = arith.constant 0 : i32
      %dma_start3A_120 = tpu.memref_slice %arg7[%dma_start3A_105, %dma_start3A_117, %dma_start3A_118, %dma_start3A_119] : memref<2x3x8x1024xf32, #tpu.memory_space<vmem>> -> memref<1x3x8x1024xf32, #tpu.memory_space<vmem>>
      %dma_start3A_121 = tpu.memref_squeeze %dma_start3A_120 : memref<1x3x8x1024xf32, #tpu.memory_space<vmem>> -> memref<3x8x1024xf32, #tpu.memory_space<vmem>>
      tpu.enqueue_dma source(%dma_start3A_121 : memref<3x8x1024xf32, #tpu.memory_space<vmem>>) target(%dma_start3A_116 : memref<3x8x1024xf32, #tpu.memory_space<hbm>>) target_semaphore(%arg10 : memref<!tpu.dma_semaphore, #tpu.memory_space<semaphore_mem>>)
      %mul3A_122 = arith.constant 2 : i32
      %mul3A_123 = arith.muli %scan3A_63, %mul3A_122 : i32
      %add3A_124 = arith.constant 1 : i32
      %add3A_125 = arith.addi %mul3A_123, %add3A_124 : i32
      %mul3A_126 = arith.constant 3 : i32
      %mul3A_127 = arith.muli %add3A_125, %mul3A_126 : i32
      %add3A_128 = arith.addi %mul3A_2, %mul3A_127 : i32
      %dma_wait3A_129 = arith.constant 1 : i32
      %dma_wait3A_130 = arith.constant 0 : i32
      %dma_wait3A_131 = arith.constant 0 : i32
      %dma_wait3A_132 = arith.constant 0 : i32
      %dma_wait3A_133 = tpu.memref_slice %arg6[%dma_wait3A_129, %dma_wait3A_130, %dma_wait3A_131, %dma_wait3A_132] : memref<2x3x8x1024xf32, #tpu.memory_space<vmem>> -> memref<1x3x8x1024xf32, #tpu.memory_space<vmem>>
      %dma_wait3A_134 = tpu.memref_squeeze %dma_wait3A_133 : memref<1x3x8x1024xf32, #tpu.memory_space<vmem>> -> memref<3x8x1024xf32, #tpu.memory_space<vmem>>
      %dma_wait3A_135 = arith.constant 0 : i32
      %dma_wait3A_136 = arith.constant 0 : i32
      %dma_wait3A_137 = tpu.memref_slice %arg2[%add3A_128, %dma_wait3A_135, %dma_wait3A_136] : memref<768x8x1024xf32, #tpu.memory_space<hbm>> -> memref<3x8x1024xf32, #tpu.memory_space<hbm>>
      %dma_wait3A_138 = arith.constant 0 : i32
      %dma_wait3A_139 = arith.constant 0 : i32
      %dma_wait3A_140 = arith.constant 0 : i32
      %dma_wait3A_141 = tpu.memref_slice %arg6[%dma_wait3A_129, %dma_wait3A_138, %dma_wait3A_139, %dma_wait3A_140] : memref<2x3x8x1024xf32, #tpu.memory_space<vmem>> -> memref<1x3x8x1024xf32, #tpu.memory_space<vmem>>
      %dma_wait3A_142 = tpu.memref_squeeze %dma_wait3A_141 : memref<1x3x8x1024xf32, #tpu.memory_space<vmem>> -> memref<3x8x1024xf32, #tpu.memory_space<vmem>>
      %dma_wait3A_143 = arith.constant 0 : i32
      %dma_wait3A_144 = arith.constant 0 : i32
      %dma_wait3A_145 = tpu.memref_slice %arg2[%add3A_128, %dma_wait3A_143, %dma_wait3A_144] : memref<768x8x1024xf32, #tpu.memory_space<hbm>> -> memref<3x8x1024xf32, #tpu.memory_space<hbm>>
      tpu.wait_dma2 semaphore(%arg9 : memref<!tpu.dma_semaphore, #tpu.memory_space<semaphore_mem>>) src(%dma_wait3A_145 : memref<3x8x1024xf32, #tpu.memory_space<hbm>>) dst(%dma_wait3A_142 : memref<3x8x1024xf32, #tpu.memory_space<vmem>>)
      %add3A_146 = arith.constant 1 : i32
      %add3A_147 = arith.addi %add3A_125, %add3A_146 : i32
      %lt3A_148 = arith.constant 8 : i32
      %lt3A_149 = arith.cmpi slt, %add3A_147, %lt3A_148 : i32
      %convert_element_type3A_150 = arith.extui %lt3A_149 : i1 to i32
      %cond3A_151 = arith.constant 0 : i32
      %cond3A_152 = arith.cmpi ne, %convert_element_type3A_150, %cond3A_151 : i32
      scf.if %cond3A_152 {
        %add3A_184 = arith.constant 1 : i32
        %add3A_185 = arith.addi %add3A_125, %add3A_184 : i32
        %mul3A_186 = arith.constant 3 : i32
        %mul3A_187 = arith.muli %add3A_185, %mul3A_186 : i32
        %add3A_188 = arith.addi %mul3A_2, %mul3A_187 : i32
        %dma_start3A_189 = arith.constant 0 : i32
        %dma_start3A_190 = arith.constant 0 : i32
        %dma_start3A_191 = arith.constant 0 : i32
        %dma_start3A_192 = arith.constant 0 : i32
        %dma_start3A_193 = tpu.memref_slice %arg6[%dma_start3A_189, %dma_start3A_190, %dma_start3A_191, %dma_start3A_192] : memref<2x3x8x1024xf32, #tpu.memory_space<vmem>> -> memref<1x3x8x1024xf32, #tpu.memory_space<vmem>>
        %dma_start3A_194 = tpu.memref_squeeze %dma_start3A_193 : memref<1x3x8x1024xf32, #tpu.memory_space<vmem>> -> memref<3x8x1024xf32, #tpu.memory_space<vmem>>
        %dma_start3A_195 = arith.constant 0 : i32
        %dma_start3A_196 = arith.constant 0 : i32
        %dma_start3A_197 = tpu.memref_slice %arg2[%add3A_188, %dma_start3A_195, %dma_start3A_196] : memref<768x8x1024xf32, #tpu.memory_space<hbm>> -> memref<3x8x1024xf32, #tpu.memory_space<hbm>>
        %dma_start3A_198 = arith.constant 0 : i32
        %dma_start3A_199 = arith.constant 0 : i32
        %dma_start3A_200 = arith.constant 0 : i32
        %dma_start3A_201 = tpu.memref_slice %arg6[%dma_start3A_189, %dma_start3A_198, %dma_start3A_199, %dma_start3A_200] : memref<2x3x8x1024xf32, #tpu.memory_space<vmem>> -> memref<1x3x8x1024xf32, #tpu.memory_space<vmem>>
        %dma_start3A_202 = tpu.memref_squeeze %dma_start3A_201 : memref<1x3x8x1024xf32, #tpu.memory_space<vmem>> -> memref<3x8x1024xf32, #tpu.memory_space<vmem>>
        %dma_start3A_203 = arith.constant 0 : i32
        %dma_start3A_204 = arith.constant 0 : i32
        %dma_start3A_205 = tpu.memref_slice %arg2[%add3A_188, %dma_start3A_203, %dma_start3A_204] : memref<768x8x1024xf32, #tpu.memory_space<hbm>> -> memref<3x8x1024xf32, #tpu.memory_space<hbm>>
        tpu.enqueue_dma source(%dma_start3A_205 : memref<3x8x1024xf32, #tpu.memory_space<hbm>>) target(%dma_start3A_202 : memref<3x8x1024xf32, #tpu.memory_space<vmem>>) target_semaphore(%arg8 : memref<!tpu.dma_semaphore, #tpu.memory_space<semaphore_mem>>)
      } else {
      }
      %ge3A_153 = arith.constant 2 : i32
      %ge3A_154 = arith.cmpi sge, %add3A_125, %ge3A_153 : i32
      %convert_element_type3A_155 = arith.extui %ge3A_154 : i1 to i32
      %cond3A_156 = arith.constant 0 : i32
      %cond3A_157 = arith.cmpi ne, %convert_element_type3A_155, %cond3A_156 : i32
      scf.if %cond3A_157 {
        %sub3A = arith.constant 2 : i32
        %sub3A_184 = arith.subi %add3A_125, %sub3A : i32
        %mul3A_185 = arith.constant 3 : i32
        %mul3A_186 = arith.muli %sub3A_184, %mul3A_185 : i32
        %add3A_187 = arith.addi %mul3A_2, %mul3A_186 : i32
        %dma_wait3A_188 = arith.constant 1 : i32
        %dma_wait3A_189 = arith.constant 0 : i32
        %dma_wait3A_190 = arith.constant 0 : i32
        %dma_wait3A_191 = arith.constant 0 : i32
        %dma_wait3A_192 = tpu.memref_slice %arg7[%dma_wait3A_188, %dma_wait3A_189, %dma_wait3A_190, %dma_wait3A_191] : memref<2x3x8x1024xf32, #tpu.memory_space<vmem>> -> memref<1x3x8x1024xf32, #tpu.memory_space<vmem>>
        %dma_wait3A_193 = tpu.memref_squeeze %dma_wait3A_192 : memref<1x3x8x1024xf32, #tpu.memory_space<vmem>> -> memref<3x8x1024xf32, #tpu.memory_space<vmem>>
        %dma_wait3A_194 = arith.constant 0 : i32
        %dma_wait3A_195 = arith.constant 0 : i32
        %dma_wait3A_196 = tpu.memref_slice %arg4[%add3A_187, %dma_wait3A_194, %dma_wait3A_195] : memref<768x8x1024xf32, #tpu.memory_space<hbm>> -> memref<3x8x1024xf32, #tpu.memory_space<hbm>>
        %dma_wait3A_197 = arith.constant 0 : i32
        %dma_wait3A_198 = arith.constant 0 : i32
        %dma_wait3A_199 = tpu.memref_slice %arg4[%add3A_187, %dma_wait3A_197, %dma_wait3A_198] : memref<768x8x1024xf32, #tpu.memory_space<hbm>> -> memref<3x8x1024xf32, #tpu.memory_space<hbm>>
        %dma_wait3A_200 = arith.constant 0 : i32
        %dma_wait3A_201 = arith.constant 0 : i32
        %dma_wait3A_202 = arith.constant 0 : i32
        %dma_wait3A_203 = tpu.memref_slice %arg7[%dma_wait3A_188, %dma_wait3A_200, %dma_wait3A_201, %dma_wait3A_202] : memref<2x3x8x1024xf32, #tpu.memory_space<vmem>> -> memref<1x3x8x1024xf32, #tpu.memory_space<vmem>>
        %dma_wait3A_204 = tpu.memref_squeeze %dma_wait3A_203 : memref<1x3x8x1024xf32, #tpu.memory_space<vmem>> -> memref<3x8x1024xf32, #tpu.memory_space<vmem>>
        tpu.wait_dma2 semaphore(%arg11 : memref<!tpu.dma_semaphore, #tpu.memory_space<semaphore_mem>>) src(%dma_wait3A_204 : memref<3x8x1024xf32, #tpu.memory_space<vmem>>) dst(%dma_wait3A_199 : memref<3x8x1024xf32, #tpu.memory_space<hbm>>)
      } else {
      }
      %scan3A_158 = arith.constant 0 : i32
      %scan3A_159 = arith.constant 0 : i32
      %scan3A_160 = arith.constant 8 : i32
      %scan3A_161 = arith.addi %scan3A_159, %scan3A_160 : i32
      %scan3A_162 = arith.constant 1 : i32
      scf.for %scan3A_184 = %scan3A_159 to %scan3A_161 step %scan3A_162  : i32 {
        %mul3A_185 = arith.constant 8 : i32
        %mul3A_186 = arith.muli %scan3A_184, %mul3A_185 : i32
        %add3A_187 = arith.constant 0 : i32
        %add3A_188 = arith.addi %mul3A_186, %add3A_187 : i32
        %mul3A_189 = arith.constant 16 : i32
        %mul3A_190 = arith.muli %add3A_188, %mul3A_189 : i32
        %get3A = arith.index_cast %mul3A_190 : i32 to index
        %get3A_191 = tpu.vector_load %arg5[%get3A] {strides = array<i32>} : memref<1024xi32, #tpu.memory_space<vmem>>, vector<16xi32>,
        %add3A_192 = arith.constant 1 : i32
        %add3A_193 = arith.addi %mul3A_186, %add3A_192 : i32
        %mul3A_194 = arith.constant 16 : i32
        %mul3A_195 = arith.muli %add3A_193, %mul3A_194 : i32
        %get3A_196 = arith.index_cast %mul3A_195 : i32 to index
        %get3A_197 = tpu.vector_load %arg5[%get3A_196] {strides = array<i32>} : memref<1024xi32, #tpu.memory_space<vmem>>, vector<16xi32>,
        %add3A_198 = arith.constant 2 : i32
        %add3A_199 = arith.addi %mul3A_186, %add3A_198 : i32
        %mul3A_200 = arith.constant 16 : i32
        %mul3A_201 = arith.muli %add3A_199, %mul3A_200 : i32
        %get3A_202 = arith.index_cast %mul3A_201 : i32 to index
        %get3A_203 = tpu.vector_load %arg5[%get3A_202] {strides = array<i32>} : memref<1024xi32, #tpu.memory_space<vmem>>, vector<16xi32>,
        %add3A_204 = arith.constant 3 : i32
        %add3A_205 = arith.addi %mul3A_186, %add3A_204 : i32
        %mul3A_206 = arith.constant 16 : i32
        %mul3A_207 = arith.muli %add3A_205, %mul3A_206 : i32
        %get3A_208 = arith.index_cast %mul3A_207 : i32 to index
        %get3A_209 = tpu.vector_load %arg5[%get3A_208] {strides = array<i32>} : memref<1024xi32, #tpu.memory_space<vmem>>, vector<16xi32>,
        %add3A_210 = arith.constant 4 : i32
        %add3A_211 = arith.addi %mul3A_186, %add3A_210 : i32
        %mul3A_212 = arith.constant 16 : i32
        %mul3A_213 = arith.muli %add3A_211, %mul3A_212 : i32
        %get3A_214 = arith.index_cast %mul3A_213 : i32 to index
        %get3A_215 = tpu.vector_load %arg5[%get3A_214] {strides = array<i32>} : memref<1024xi32, #tpu.memory_space<vmem>>, vector<16xi32>,
        %add3A_216 = arith.constant 5 : i32
        %add3A_217 = arith.addi %mul3A_186, %add3A_216 : i32
        %mul3A_218 = arith.constant 16 : i32
        %mul3A_219 = arith.muli %add3A_217, %mul3A_218 : i32
        %get3A_220 = arith.index_cast %mul3A_219 : i32 to index
        %get3A_221 = tpu.vector_load %arg5[%get3A_220] {strides = array<i32>} : memref<1024xi32, #tpu.memory_space<vmem>>, vector<16xi32>,
        %add3A_222 = arith.constant 6 : i32
        %add3A_223 = arith.addi %mul3A_186, %add3A_222 : i32
        %mul3A_224 = arith.constant 16 : i32
        %mul3A_225 = arith.muli %add3A_223, %mul3A_224 : i32
        %get3A_226 = arith.index_cast %mul3A_225 : i32 to index
        %get3A_227 = tpu.vector_load %arg5[%get3A_226] {strides = array<i32>} : memref<1024xi32, #tpu.memory_space<vmem>>, vector<16xi32>,
        %add3A_228 = arith.constant 7 : i32
        %add3A_229 = arith.addi %mul3A_186, %add3A_228 : i32
        %mul3A_230 = arith.constant 16 : i32
        %mul3A_231 = arith.muli %add3A_229, %mul3A_230 : i32
        %get3A_232 = arith.index_cast %mul3A_231 : i32 to index
        %get3A_233 = tpu.vector_load %arg5[%get3A_232] {strides = array<i32>} : memref<1024xi32, #tpu.memory_space<vmem>>, vector<16xi32>,
        %parallel_loop3A = arith.constant 0 : i32
        %parallel_loop3A_234 = arith.constant 24 : i32
        %parallel_loop3A_235 = arith.constant 1 : i32
        scf.for %parallel_loop3A_236 = %parallel_loop3A to %parallel_loop3A_234 step %parallel_loop3A_235  : i32 {
          %parallel_loop3A_237 = arith.constant 8 : i32
          %parallel_loop3A_238 = arith.divsi %parallel_loop3A_236, %parallel_loop3A_237 : i32
          %parallel_loop3A_239 = arith.constant 0 : i32
          %parallel_loop3A_240 = arith.cmpi sgt, %parallel_loop3A_236, %parallel_loop3A_239 : i32
          %parallel_loop3A_241 = arith.extui %parallel_loop3A_240 : i1 to i32
          %parallel_loop3A_242 = arith.constant 0 : i32
          %parallel_loop3A_243 = arith.cmpi slt, %parallel_loop3A_236, %parallel_loop3A_242 : i32
          %parallel_loop3A_244 = arith.extui %parallel_loop3A_243 : i1 to i32
          %parallel_loop3A_245 = arith.subi %parallel_loop3A_241, %parallel_loop3A_244 : i32
          %parallel_loop3A_246 = arith.constant 0 : i32
          %parallel_loop3A_247 = arith.cmpi sgt, %parallel_loop3A_237, %parallel_loop3A_246 : i32
          %parallel_loop3A_248 = arith.extui %parallel_loop3A_247 : i1 to i32
          %parallel_loop3A_249 = arith.constant 0 : i32
          %parallel_loop3A_250 = arith.cmpi slt, %parallel_loop3A_237, %parallel_loop3A_249 : i32
          %parallel_loop3A_251 = arith.extui %parallel_loop3A_250 : i1 to i32
          %parallel_loop3A_252 = arith.subi %parallel_loop3A_248, %parallel_loop3A_251 : i32
          %parallel_loop3A_253 = arith.cmpi ne, %parallel_loop3A_245, %parallel_loop3A_252 : i32
          %parallel_loop3A_254 = arith.remsi %parallel_loop3A_236, %parallel_loop3A_237 : i32
          %parallel_loop3A_255 = arith.constant 0 : i32
          %parallel_loop3A_256 = arith.cmpi ne, %parallel_loop3A_254, %parallel_loop3A_255 : i32
          %parallel_loop3A_257 = arith.andi %parallel_loop3A_253, %parallel_loop3A_256 : i1
          %parallel_loop3A_258 = arith.constant 1 : i32
          %parallel_loop3A_259 = arith.subi %parallel_loop3A_238, %parallel_loop3A_258 : i32
          %parallel_loop3A_260 = arith.select %parallel_loop3A_257, %parallel_loop3A_259, %parallel_loop3A_238 : i32
          %parallel_loop3A_261 = arith.constant 8 : i32
          %parallel_loop3A_262 = arith.constant 0 : i32
          %parallel_loop3A_263 = arith.cmpi eq, %parallel_loop3A_261, %parallel_loop3A_262 : i32
          %parallel_loop3A_264 = arith.constant 1 : i32
          %parallel_loop3A_265 = arith.select %parallel_loop3A_263, %parallel_loop3A_264, %parallel_loop3A_261 : i32
          %parallel_loop3A_266 = arith.remsi %parallel_loop3A_236, %parallel_loop3A_265 : i32
          %parallel_loop3A_267 = arith.constant 0 : i32
          %parallel_loop3A_268 = arith.cmpi ne, %parallel_loop3A_266, %parallel_loop3A_267 : i32
          %parallel_loop3A_269 = arith.constant 0 : i32
          %parallel_loop3A_270 = arith.cmpi slt, %parallel_loop3A_266, %parallel_loop3A_269 : i32
          %parallel_loop3A_271 = arith.constant 0 : i32
          %parallel_loop3A_272 = arith.cmpi slt, %parallel_loop3A_265, %parallel_loop3A_271 : i32
          %parallel_loop3A_273 = arith.xori %parallel_loop3A_270, %parallel_loop3A_272 : i1
          %parallel_loop3A_274 = arith.andi %parallel_loop3A_273, %parallel_loop3A_268 : i1
          %parallel_loop3A_275 = arith.addi %parallel_loop3A_266, %parallel_loop3A_265 : i32
          %parallel_loop3A_276 = arith.select %parallel_loop3A_274, %parallel_loop3A_275, %parallel_loop3A_266 : i32
          %parallel_loop3A_277 = vector.broadcast %parallel_loop3A_260 : i32 to vector<16xi32>
          %parallel_loop3A_278 = vector.broadcast %parallel_loop3A_276 : i32 to vector<16xi32>
          %parallel_loop3A_279 = arith.constant 1 : i32
          %parallel_loop3A_280 = arith.constant 0 : i32
          %parallel_loop3A_281 = arith.constant 0 : i32
          %parallel_loop3A_282 = arith.constant 0 : i32
          %parallel_loop3A_283 = tpu.memref_slice %arg6[%parallel_loop3A_279, %parallel_loop3A_280, %parallel_loop3A_281, %parallel_loop3A_282] : memref<2x3x8x1024xf32, #tpu.memory_space<vmem>> -> memref<1x3x8x1024xf32, #tpu.memory_space<vmem>>
          %parallel_loop3A_284 = tpu.memref_squeeze %parallel_loop3A_283 : memref<1x3x8x1024xf32, #tpu.memory_space<vmem>> -> memref<3x8x1024xf32, #tpu.memory_space<vmem>>
          %parallel_loop3A_285 = tpu.vector_load_idx %parallel_loop3A_284[%parallel_loop3A_277, %parallel_loop3A_278, %get3A_191] : memref<3x8x1024xf32, #tpu.memory_space<vmem>>[vector<16xi32>, vector<16xi32>, vector<16xi32>], vector<16xf32>,
          %parallel_loop3A_286 = arith.constant 0 : i32
          %parallel_loop3A_287 = arith.addi %mul3A_186, %parallel_loop3A_286 : i32
          %parallel_loop3A_288 = arith.constant 16 : i32
          %parallel_loop3A_289 = arith.muli %parallel_loop3A_287, %parallel_loop3A_288 : i32
          %parallel_loop3A_290 = arith.constant 1 : i32
          %parallel_loop3A_291 = arith.index_cast %parallel_loop3A_290 : i32 to index
          %parallel_loop3A_292 = arith.index_cast %parallel_loop3A_260 : i32 to index
          %parallel_loop3A_293 = arith.index_cast %parallel_loop3A_276 : i32 to index
          %parallel_loop3A_294 = arith.index_cast %parallel_loop3A_289 : i32 to index
          %parallel_loop3A_295 = tpu.vector_load %arg7[%parallel_loop3A_291, %parallel_loop3A_292, %parallel_loop3A_293, %parallel_loop3A_294] {strides = array<i32>} : memref<2x3x8x1024xf32, #tpu.memory_space<vmem>>, vector<16xf32>,
          tpu.vector_store %arg7[%parallel_loop3A_291, %parallel_loop3A_292, %parallel_loop3A_293, %parallel_loop3A_294], %parallel_loop3A_285 {strides = array<i32>} : memref<2x3x8x1024xf32, #tpu.memory_space<vmem>>, vector<16xf32>,
          %parallel_loop3A_296 = arith.constant 1 : i32
          %parallel_loop3A_297 = arith.constant 0 : i32
          %parallel_loop3A_298 = arith.constant 0 : i32
          %parallel_loop3A_299 = arith.constant 0 : i32
          %parallel_loop3A_300 = tpu.memref_slice %arg6[%parallel_loop3A_296, %parallel_loop3A_297, %parallel_loop3A_298, %parallel_loop3A_299] : memref<2x3x8x1024xf32, #tpu.memory_space<vmem>> -> memref<1x3x8x1024xf32, #tpu.memory_space<vmem>>
          %parallel_loop3A_301 = tpu.memref_squeeze %parallel_loop3A_300 : memref<1x3x8x1024xf32, #tpu.memory_space<vmem>> -> memref<3x8x1024xf32, #tpu.memory_space<vmem>>
          %parallel_loop3A_302 = tpu.vector_load_idx %parallel_loop3A_301[%parallel_loop3A_277, %parallel_loop3A_278, %get3A_197] : memref<3x8x1024xf32, #tpu.memory_space<vmem>>[vector<16xi32>, vector<16xi32>, vector<16xi32>], vector<16xf32>,
          %parallel_loop3A_303 = arith.constant 1 : i32
          %parallel_loop3A_304 = arith.addi %mul3A_186, %parallel_loop3A_303 : i32
          %parallel_loop3A_305 = arith.constant 16 : i32
          %parallel_loop3A_306 = arith.muli %parallel_loop3A_304, %parallel_loop3A_305 : i32
          %parallel_loop3A_307 = arith.constant 1 : i32
          %parallel_loop3A_308 = arith.index_cast %parallel_loop3A_307 : i32 to index
          %parallel_loop3A_309 = arith.index_cast %parallel_loop3A_260 : i32 to index
          %parallel_loop3A_310 = arith.index_cast %parallel_loop3A_276 : i32 to index
          %parallel_loop3A_311 = arith.index_cast %parallel_loop3A_306 : i32 to index
          %parallel_loop3A_312 = tpu.vector_load %arg7[%parallel_loop3A_308, %parallel_loop3A_309, %parallel_loop3A_310, %parallel_loop3A_311] {strides = array<i32>} : memref<2x3x8x1024xf32, #tpu.memory_space<vmem>>, vector<16xf32>,
          tpu.vector_store %arg7[%parallel_loop3A_308, %parallel_loop3A_309, %parallel_loop3A_310, %parallel_loop3A_311], %parallel_loop3A_302 {strides = array<i32>} : memref<2x3x8x1024xf32, #tpu.memory_space<vmem>>, vector<16xf32>,
          %parallel_loop3A_313 = arith.constant 1 : i32
          %parallel_loop3A_314 = arith.constant 0 : i32
          %parallel_loop3A_315 = arith.constant 0 : i32
          %parallel_loop3A_316 = arith.constant 0 : i32
          %parallel_loop3A_317 = tpu.memref_slice %arg6[%parallel_loop3A_313, %parallel_loop3A_314, %parallel_loop3A_315, %parallel_loop3A_316] : memref<2x3x8x1024xf32, #tpu.memory_space<vmem>> -> memref<1x3x8x1024xf32, #tpu.memory_space<vmem>>
          %parallel_loop3A_318 = tpu.memref_squeeze %parallel_loop3A_317 : memref<1x3x8x1024xf32, #tpu.memory_space<vmem>> -> memref<3x8x1024xf32, #tpu.memory_space<vmem>>
          %parallel_loop3A_319 = tpu.vector_load_idx %parallel_loop3A_318[%parallel_loop3A_277, %parallel_loop3A_278, %get3A_203] : memref<3x8x1024xf32, #tpu.memory_space<vmem>>[vector<16xi32>, vector<16xi32>, vector<16xi32>], vector<16xf32>,
          %parallel_loop3A_320 = arith.constant 2 : i32
          %parallel_loop3A_321 = arith.addi %mul3A_186, %parallel_loop3A_320 : i32
          %parallel_loop3A_322 = arith.constant 16 : i32
          %parallel_loop3A_323 = arith.muli %parallel_loop3A_321, %parallel_loop3A_322 : i32
          %parallel_loop3A_324 = arith.constant 1 : i32
          %parallel_loop3A_325 = arith.index_cast %parallel_loop3A_324 : i32 to index
          %parallel_loop3A_326 = arith.index_cast %parallel_loop3A_260 : i32 to index
          %parallel_loop3A_327 = arith.index_cast %parallel_loop3A_276 : i32 to index
          %parallel_loop3A_328 = arith.index_cast %parallel_loop3A_323 : i32 to index
          %parallel_loop3A_329 = tpu.vector_load %arg7[%parallel_loop3A_325, %parallel_loop3A_326, %parallel_loop3A_327, %parallel_loop3A_328] {strides = array<i32>} : memref<2x3x8x1024xf32, #tpu.memory_space<vmem>>, vector<16xf32>,
          tpu.vector_store %arg7[%parallel_loop3A_325, %parallel_loop3A_326, %parallel_loop3A_327, %parallel_loop3A_328], %parallel_loop3A_319 {strides = array<i32>} : memref<2x3x8x1024xf32, #tpu.memory_space<vmem>>, vector<16xf32>,
          %parallel_loop3A_330 = arith.constant 1 : i32
          %parallel_loop3A_331 = arith.constant 0 : i32
          %parallel_loop3A_332 = arith.constant 0 : i32
          %parallel_loop3A_333 = arith.constant 0 : i32
          %parallel_loop3A_334 = tpu.memref_slice %arg6[%parallel_loop3A_330, %parallel_loop3A_331, %parallel_loop3A_332, %parallel_loop3A_333] : memref<2x3x8x1024xf32, #tpu.memory_space<vmem>> -> memref<1x3x8x1024xf32, #tpu.memory_space<vmem>>
          %parallel_loop3A_335 = tpu.memref_squeeze %parallel_loop3A_334 : memref<1x3x8x1024xf32, #tpu.memory_space<vmem>> -> memref<3x8x1024xf32, #tpu.memory_space<vmem>>
          %parallel_loop3A_336 = tpu.vector_load_idx %parallel_loop3A_335[%parallel_loop3A_277, %parallel_loop3A_278, %get3A_209] : memref<3x8x1024xf32, #tpu.memory_space<vmem>>[vector<16xi32>, vector<16xi32>, vector<16xi32>], vector<16xf32>,
          %parallel_loop3A_337 = arith.constant 3 : i32
          %parallel_loop3A_338 = arith.addi %mul3A_186, %parallel_loop3A_337 : i32
          %parallel_loop3A_339 = arith.constant 16 : i32
          %parallel_loop3A_340 = arith.muli %parallel_loop3A_338, %parallel_loop3A_339 : i32
          %parallel_loop3A_341 = arith.constant 1 : i32
          %parallel_loop3A_342 = arith.index_cast %parallel_loop3A_341 : i32 to index
          %parallel_loop3A_343 = arith.index_cast %parallel_loop3A_260 : i32 to index
          %parallel_loop3A_344 = arith.index_cast %parallel_loop3A_276 : i32 to index
          %parallel_loop3A_345 = arith.index_cast %parallel_loop3A_340 : i32 to index
          %parallel_loop3A_346 = tpu.vector_load %arg7[%parallel_loop3A_342, %parallel_loop3A_343, %parallel_loop3A_344, %parallel_loop3A_345] {strides = array<i32>} : memref<2x3x8x1024xf32, #tpu.memory_space<vmem>>, vector<16xf32>,
          tpu.vector_store %arg7[%parallel_loop3A_342, %parallel_loop3A_343, %parallel_loop3A_344, %parallel_loop3A_345], %parallel_loop3A_336 {strides = array<i32>} : memref<2x3x8x1024xf32, #tpu.memory_space<vmem>>, vector<16xf32>,
          %parallel_loop3A_347 = arith.constant 1 : i32
          %parallel_loop3A_348 = arith.constant 0 : i32
          %parallel_loop3A_349 = arith.constant 0 : i32
          %parallel_loop3A_350 = arith.constant 0 : i32
          %parallel_loop3A_351 = tpu.memref_slice %arg6[%parallel_loop3A_347, %parallel_loop3A_348, %parallel_loop3A_349, %parallel_loop3A_350] : memref<2x3x8x1024xf32, #tpu.memory_space<vmem>> -> memref<1x3x8x1024xf32, #tpu.memory_space<vmem>>
          %parallel_loop3A_352 = tpu.memref_squeeze %parallel_loop3A_351 : memref<1x3x8x1024xf32, #tpu.memory_space<vmem>> -> memref<3x8x1024xf32, #tpu.memory_space<vmem>>
          %parallel_loop3A_353 = tpu.vector_load_idx %parallel_loop3A_352[%parallel_loop3A_277, %parallel_loop3A_278, %get3A_215] : memref<3x8x1024xf32, #tpu.memory_space<vmem>>[vector<16xi32>, vector<16xi32>, vector<16xi32>], vector<16xf32>,
          %parallel_loop3A_354 = arith.constant 4 : i32
          %parallel_loop3A_355 = arith.addi %mul3A_186, %parallel_loop3A_354 : i32
          %parallel_loop3A_356 = arith.constant 16 : i32
          %parallel_loop3A_357 = arith.muli %parallel_loop3A_355, %parallel_loop3A_356 : i32
          %parallel_loop3A_358 = arith.constant 1 : i32
          %parallel_loop3A_359 = arith.index_cast %parallel_loop3A_358 : i32 to index
          %parallel_loop3A_360 = arith.index_cast %parallel_loop3A_260 : i32 to index
          %parallel_loop3A_361 = arith.index_cast %parallel_loop3A_276 : i32 to index
          %parallel_loop3A_362 = arith.index_cast %parallel_loop3A_357 : i32 to index
          %parallel_loop3A_363 = tpu.vector_load %arg7[%parallel_loop3A_359, %parallel_loop3A_360, %parallel_loop3A_361, %parallel_loop3A_362] {strides = array<i32>} : memref<2x3x8x1024xf32, #tpu.memory_space<vmem>>, vector<16xf32>,
          tpu.vector_store %arg7[%parallel_loop3A_359, %parallel_loop3A_360, %parallel_loop3A_361, %parallel_loop3A_362], %parallel_loop3A_353 {strides = array<i32>} : memref<2x3x8x1024xf32, #tpu.memory_space<vmem>>, vector<16xf32>,
          %parallel_loop3A_364 = arith.constant 1 : i32
          %parallel_loop3A_365 = arith.constant 0 : i32
          %parallel_loop3A_366 = arith.constant 0 : i32
          %parallel_loop3A_367 = arith.constant 0 : i32
          %parallel_loop3A_368 = tpu.memref_slice %arg6[%parallel_loop3A_364, %parallel_loop3A_365, %parallel_loop3A_366, %parallel_loop3A_367] : memref<2x3x8x1024xf32, #tpu.memory_space<vmem>> -> memref<1x3x8x1024xf32, #tpu.memory_space<vmem>>
          %parallel_loop3A_369 = tpu.memref_squeeze %parallel_loop3A_368 : memref<1x3x8x1024xf32, #tpu.memory_space<vmem>> -> memref<3x8x1024xf32, #tpu.memory_space<vmem>>
          %parallel_loop3A_370 = tpu.vector_load_idx %parallel_loop3A_369[%parallel_loop3A_277, %parallel_loop3A_278, %get3A_221] : memref<3x8x1024xf32, #tpu.memory_space<vmem>>[vector<16xi32>, vector<16xi32>, vector<16xi32>], vector<16xf32>,
          %parallel_loop3A_371 = arith.constant 5 : i32
          %parallel_loop3A_372 = arith.addi %mul3A_186, %parallel_loop3A_371 : i32
          %parallel_loop3A_373 = arith.constant 16 : i32
          %parallel_loop3A_374 = arith.muli %parallel_loop3A_372, %parallel_loop3A_373 : i32
          %parallel_loop3A_375 = arith.constant 1 : i32
          %parallel_loop3A_376 = arith.index_cast %parallel_loop3A_375 : i32 to index
          %parallel_loop3A_377 = arith.index_cast %parallel_loop3A_260 : i32 to index
          %parallel_loop3A_378 = arith.index_cast %parallel_loop3A_276 : i32 to index
          %parallel_loop3A_379 = arith.index_cast %parallel_loop3A_374 : i32 to index
          %parallel_loop3A_380 = tpu.vector_load %arg7[%parallel_loop3A_376, %parallel_loop3A_377, %parallel_loop3A_378, %parallel_loop3A_379] {strides = array<i32>} : memref<2x3x8x1024xf32, #tpu.memory_space<vmem>>, vector<16xf32>,
          tpu.vector_store %arg7[%parallel_loop3A_376, %parallel_loop3A_377, %parallel_loop3A_378, %parallel_loop3A_379], %parallel_loop3A_370 {strides = array<i32>} : memref<2x3x8x1024xf32, #tpu.memory_space<vmem>>, vector<16xf32>,
          %parallel_loop3A_381 = arith.constant 1 : i32
          %parallel_loop3A_382 = arith.constant 0 : i32
          %parallel_loop3A_383 = arith.constant 0 : i32
          %parallel_loop3A_384 = arith.constant 0 : i32
          %parallel_loop3A_385 = tpu.memref_slice %arg6[%parallel_loop3A_381, %parallel_loop3A_382, %parallel_loop3A_383, %parallel_loop3A_384] : memref<2x3x8x1024xf32, #tpu.memory_space<vmem>> -> memref<1x3x8x1024xf32, #tpu.memory_space<vmem>>
          %parallel_loop3A_386 = tpu.memref_squeeze %parallel_loop3A_385 : memref<1x3x8x1024xf32, #tpu.memory_space<vmem>> -> memref<3x8x1024xf32, #tpu.memory_space<vmem>>
          %parallel_loop3A_387 = tpu.vector_load_idx %parallel_loop3A_386[%parallel_loop3A_277, %parallel_loop3A_278, %get3A_227] : memref<3x8x1024xf32, #tpu.memory_space<vmem>>[vector<16xi32>, vector<16xi32>, vector<16xi32>], vector<16xf32>,
          %parallel_loop3A_388 = arith.constant 6 : i32
          %parallel_loop3A_389 = arith.addi %mul3A_186, %parallel_loop3A_388 : i32
          %parallel_loop3A_390 = arith.constant 16 : i32
          %parallel_loop3A_391 = arith.muli %parallel_loop3A_389, %parallel_loop3A_390 : i32
          %parallel_loop3A_392 = arith.constant 1 : i32
          %parallel_loop3A_393 = arith.index_cast %parallel_loop3A_392 : i32 to index
          %parallel_loop3A_394 = arith.index_cast %parallel_loop3A_260 : i32 to index
          %parallel_loop3A_395 = arith.index_cast %parallel_loop3A_276 : i32 to index
          %parallel_loop3A_396 = arith.index_cast %parallel_loop3A_391 : i32 to index
          %parallel_loop3A_397 = tpu.vector_load %arg7[%parallel_loop3A_393, %parallel_loop3A_394, %parallel_loop3A_395, %parallel_loop3A_396] {strides = array<i32>} : memref<2x3x8x1024xf32, #tpu.memory_space<vmem>>, vector<16xf32>,
          tpu.vector_store %arg7[%parallel_loop3A_393, %parallel_loop3A_394, %parallel_loop3A_395, %parallel_loop3A_396], %parallel_loop3A_387 {strides = array<i32>} : memref<2x3x8x1024xf32, #tpu.memory_space<vmem>>, vector<16xf32>,
          %parallel_loop3A_398 = arith.constant 1 : i32
          %parallel_loop3A_399 = arith.constant 0 : i32
          %parallel_loop3A_400 = arith.constant 0 : i32
          %parallel_loop3A_401 = arith.constant 0 : i32
          %parallel_loop3A_402 = tpu.memref_slice %arg6[%parallel_loop3A_398, %parallel_loop3A_399, %parallel_loop3A_400, %parallel_loop3A_401] : memref<2x3x8x1024xf32, #tpu.memory_space<vmem>> -> memref<1x3x8x1024xf32, #tpu.memory_space<vmem>>
          %parallel_loop3A_403 = tpu.memref_squeeze %parallel_loop3A_402 : memref<1x3x8x1024xf32, #tpu.memory_space<vmem>> -> memref<3x8x1024xf32, #tpu.memory_space<vmem>>
          %parallel_loop3A_404 = tpu.vector_load_idx %parallel_loop3A_403[%parallel_loop3A_277, %parallel_loop3A_278, %get3A_233] : memref<3x8x1024xf32, #tpu.memory_space<vmem>>[vector<16xi32>, vector<16xi32>, vector<16xi32>], vector<16xf32>,
          %parallel_loop3A_405 = arith.constant 7 : i32
          %parallel_loop3A_406 = arith.addi %mul3A_186, %parallel_loop3A_405 : i32
          %parallel_loop3A_407 = arith.constant 16 : i32
          %parallel_loop3A_408 = arith.muli %parallel_loop3A_406, %parallel_loop3A_407 : i32
          %parallel_loop3A_409 = arith.constant 1 : i32
          %parallel_loop3A_410 = arith.index_cast %parallel_loop3A_409 : i32 to index
          %parallel_loop3A_411 = arith.index_cast %parallel_loop3A_260 : i32 to index
          %parallel_loop3A_412 = arith.index_cast %parallel_loop3A_276 : i32 to index
          %parallel_loop3A_413 = arith.index_cast %parallel_loop3A_408 : i32 to index
          %parallel_loop3A_414 = tpu.vector_load %arg7[%parallel_loop3A_410, %parallel_loop3A_411, %parallel_loop3A_412, %parallel_loop3A_413] {strides = array<i32>} : memref<2x3x8x1024xf32, #tpu.memory_space<vmem>>, vector<16xf32>,
          tpu.vector_store %arg7[%parallel_loop3A_410, %parallel_loop3A_411, %parallel_loop3A_412, %parallel_loop3A_413], %parallel_loop3A_404 {strides = array<i32>} : memref<2x3x8x1024xf32, #tpu.memory_space<vmem>>, vector<16xf32>,
        } {sc.loop_unroll_factor = 2 : i64, sc.parallel_access}
      }
      %scan3A_163 = arith.constant 8 : i32
      %mul3A_164 = arith.constant 3 : i32
      %mul3A_165 = arith.muli %add3A_125, %mul3A_164 : i32
      %add3A_166 = arith.addi %mul3A_2, %mul3A_165 : i32
      %dma_start3A_167 = arith.constant 1 : i32
      %dma_start3A_168 = arith.constant 0 : i32
      %dma_start3A_169 = arith.constant 0 : i32
      %dma_start3A_170 = arith.constant 0 : i32
      %dma_start3A_171 = tpu.memref_slice %arg7[%dma_start3A_167, %dma_start3A_168, %dma_start3A_169, %dma_start3A_170] : memref<2x3x8x1024xf32, #tpu.memory_space<vmem>> -> memref<1x3x8x1024xf32, #tpu.memory_space<vmem>>
      %dma_start3A_172 = tpu.memref_squeeze %dma_start3A_171 : memref<1x3x8x1024xf32, #tpu.memory_space<vmem>> -> memref<3x8x1024xf32, #tpu.memory_space<vmem>>
      %dma_start3A_173 = arith.constant 0 : i32
      %dma_start3A_174 = arith.constant 0 : i32
      %dma_start3A_175 = tpu.memref_slice %arg4[%add3A_166, %dma_start3A_173, %dma_start3A_174] : memref<768x8x1024xf32, #tpu.memory_space<hbm>> -> memref<3x8x1024xf32, #tpu.memory_space<hbm>>
      %dma_start3A_176 = arith.constant 0 : i32
      %dma_start3A_177 = arith.constant 0 : i32
      %dma_start3A_178 = tpu.memref_slice %arg4[%add3A_166, %dma_start3A_176, %dma_start3A_177] : memref<768x8x1024xf32, #tpu.memory_space<hbm>> -> memref<3x8x1024xf32, #tpu.memory_space<hbm>>
      %dma_start3A_179 = arith.constant 0 : i32
      %dma_start3A_180 = arith.constant 0 : i32
      %dma_start3A_181 = arith.constant 0 : i32
      %dma_start3A_182 = tpu.memref_slice %arg7[%dma_start3A_167, %dma_start3A_179, %dma_start3A_180, %dma_start3A_181] : memref<2x3x8x1024xf32, #tpu.memory_space<vmem>> -> memref<1x3x8x1024xf32, #tpu.memory_space<vmem>>
      %dma_start3A_183 = tpu.memref_squeeze %dma_start3A_182 : memref<1x3x8x1024xf32, #tpu.memory_space<vmem>> -> memref<3x8x1024xf32, #tpu.memory_space<vmem>>
      tpu.enqueue_dma source(%dma_start3A_183 : memref<3x8x1024xf32, #tpu.memory_space<vmem>>) target(%dma_start3A_178 : memref<3x8x1024xf32, #tpu.memory_space<hbm>>) target_semaphore(%arg11 : memref<!tpu.dma_semaphore, #tpu.memory_space<semaphore_mem>>)
    }
    %scan3A_25 = arith.constant 4 : i32
    %add3A_26 = arith.constant 18 : i32
    %add3A_27 = arith.addi %mul3A_2, %add3A_26 : i32
    %dma_wait3A = arith.constant 0 : i32
    %dma_wait3A_28 = arith.constant 0 : i32
    %dma_wait3A_29 = arith.constant 0 : i32
    %dma_wait3A_30 = arith.constant 0 : i32
    %dma_wait3A_31 = tpu.memref_slice %arg7[%dma_wait3A, %dma_wait3A_28, %dma_wait3A_29, %dma_wait3A_30] : memref<2x3x8x1024xf32, #tpu.memory_space<vmem>> -> memref<1x3x8x1024xf32, #tpu.memory_space<vmem>>
    %dma_wait3A_32 = tpu.memref_squeeze %dma_wait3A_31 : memref<1x3x8x1024xf32, #tpu.memory_space<vmem>> -> memref<3x8x1024xf32, #tpu.memory_space<vmem>>
    %dma_wait3A_33 = arith.constant 0 : i32
    %dma_wait3A_34 = arith.constant 0 : i32
    %dma_wait3A_35 = tpu.memref_slice %arg4[%add3A_27, %dma_wait3A_33, %dma_wait3A_34] : memref<768x8x1024xf32, #tpu.memory_space<hbm>> -> memref<3x8x1024xf32, #tpu.memory_space<hbm>>
    %dma_wait3A_36 = arith.constant 0 : i32
    %dma_wait3A_37 = arith.constant 0 : i32
    %dma_wait3A_38 = tpu.memref_slice %arg4[%add3A_27, %dma_wait3A_36, %dma_wait3A_37] : memref<768x8x1024xf32, #tpu.memory_space<hbm>> -> memref<3x8x1024xf32, #tpu.memory_space<hbm>>
    %dma_wait3A_39 = arith.constant 0 : i32
    %dma_wait3A_40 = arith.constant 0 : i32
    %dma_wait3A_41 = arith.constant 0 : i32
    %dma_wait3A_42 = tpu.memref_slice %arg7[%dma_wait3A, %dma_wait3A_39, %dma_wait3A_40, %dma_wait3A_41] : memref<2x3x8x1024xf32, #tpu.memory_space<vmem>> -> memref<1x3x8x1024xf32, #tpu.memory_space<vmem>>
    %dma_wait3A_43 = tpu.memref_squeeze %dma_wait3A_42 : memref<1x3x8x1024xf32, #tpu.memory_space<vmem>> -> memref<3x8x1024xf32, #tpu.memory_space<vmem>>
    tpu.wait_dma2 semaphore(%arg10 : memref<!tpu.dma_semaphore, #tpu.memory_space<semaphore_mem>>) src(%dma_wait3A_43 : memref<3x8x1024xf32, #tpu.memory_space<vmem>>) dst(%dma_wait3A_38 : memref<3x8x1024xf32, #tpu.memory_space<hbm>>)
    %add3A_44 = arith.constant 21 : i32
    %add3A_45 = arith.addi %mul3A_2, %add3A_44 : i32
    %dma_wait3A_46 = arith.constant 1 : i32
    %dma_wait3A_47 = arith.constant 0 : i32
    %dma_wait3A_48 = arith.constant 0 : i32
    %dma_wait3A_49 = arith.constant 0 : i32
    %dma_wait3A_50 = tpu.memref_slice %arg7[%dma_wait3A_46, %dma_wait3A_47, %dma_wait3A_48, %dma_wait3A_49] : memref<2x3x8x1024xf32, #tpu.memory_space<vmem>> -> memref<1x3x8x1024xf32, #tpu.memory_space<vmem>>
    %dma_wait3A_51 = tpu.memref_squeeze %dma_wait3A_50 : memref<1x3x8x1024xf32, #tpu.memory_space<vmem>> -> memref<3x8x1024xf32, #tpu.memory_space<vmem>>
    %dma_wait3A_52 = arith.constant 0 : i32
    %dma_wait3A_53 = arith.constant 0 : i32
    %dma_wait3A_54 = tpu.memref_slice %arg4[%add3A_45, %dma_wait3A_52, %dma_wait3A_53] : memref<768x8x1024xf32, #tpu.memory_space<hbm>> -> memref<3x8x1024xf32, #tpu.memory_space<hbm>>
    %dma_wait3A_55 = arith.constant 0 : i32
    %dma_wait3A_56 = arith.constant 0 : i32
    %dma_wait3A_57 = tpu.memref_slice %arg4[%add3A_45, %dma_wait3A_55, %dma_wait3A_56] : memref<768x8x1024xf32, #tpu.memory_space<hbm>> -> memref<3x8x1024xf32, #tpu.memory_space<hbm>>
    %dma_wait3A_58 = arith.constant 0 : i32
    %dma_wait3A_59 = arith.constant 0 : i32
    %dma_wait3A_60 = arith.constant 0 : i32
    %dma_wait3A_61 = tpu.memref_slice %arg7[%dma_wait3A_46, %dma_wait3A_58, %dma_wait3A_59, %dma_wait3A_60] : memref<2x3x8x1024xf32, #tpu.memory_space<vmem>> -> memref<1x3x8x1024xf32, #tpu.memory_space<vmem>>
    %dma_wait3A_62 = tpu.memref_squeeze %dma_wait3A_61 : memref<1x3x8x1024xf32, #tpu.memory_space<vmem>> -> memref<3x8x1024xf32, #tpu.memory_space<vmem>>
    tpu.wait_dma2 semaphore(%arg11 : memref<!tpu.dma_semaphore, #tpu.memory_space<semaphore_mem>>) src(%dma_wait3A_62 : memref<3x8x1024xf32, #tpu.memory_space<vmem>>) dst(%dma_wait3A_57 : memref<3x8x1024xf32, #tpu.memory_space<hbm>>)
    return
  }
}

</mosaic_0001>

<sc_bundles>
// kernel: kernel.3.cloned.1.call-start
scs
__scs_entry_jumppad:
0x0: {  	(pc) =	sbr.rel $0x88, $3  }
0x1: {  	(tag) =	ssettag $0x0;
	lr =	simm.s32 $0x1  }
0x2: {  	[smem:$0x3F9F] =	sst lr;
	_ =	strace $0xD0000000  }
0x3: {  	_ = 	snop  }
0x4: {  	_ = 	snop  }
0x5: {  	_ = 	snop  }
0x6: {  	_ = 	snop  }
0x7: {  	_ = 	snop  }
__scs_overlays_trampoline_lowered:
0x8: {  	[smem:$0x3FAE] =	sst s0  }
0x9: {  	[smem:$0x3FAF] =	sst s1  }
0xa: {  	[smem:$0x3FB0] =	sst s2  }
0xb: {  	[smem:$0x3FB1] =	sst s3  }
0xc: {  	[smem:$0x3FB2] =	sst s4  }
0xd: {  	[smem:$0x3FB3] =	sst s5  }
0xe: {  	[smem:$0x3FB4] =	sst s6  }
0xf: {  	[smem:$0x3FB5] =	sst s7  }
0x10: {  	[smem:$0x3FB6] =	sst s8  }
0x11: {  	[smem:$0x3FB7] =	sst s9;
	s0 =	simm.s32 @!p0 $0x0  }
0x12: {  	s1 =	sld [smem:$0x3F9D];
	s0 =	simm.s32 @p0 $0x1  }
0x13: {  	[smem:$0x3FB8] =	sst s0;
	s0 =	simm.s32 @!p1 $0x0  }
0x14: {  	s2 =	sld [smem:$0x3F9C];
	s0 =	simm.s32 @p1 $0x1  }
0x15: {  	[smem:$0x3FB9] =	sst s0;
	s0 =	simm.s32 @!p2 $0x0  }
0x16: {  	s3 =	sld [smem:$0x3FDB];
	s0 =	simm.s32 @p2 $0x1  }
0x17: {  	s4 =	simm.s32 $0x1BF5;
	[smem:$0x3FBB] =	sst s0  }
0x18: {  	s0 =	sld [smem:$0x3F9E];
	_ =	swait.ge [sflag:s4], $0x0  }
0x19: {  	s7 =	sld [smem:$0x3F9F]  }
0x1a: {  	s8 =	sadd.s32 $0xFFFFE003, lr  }
0x1b: {  	s9 =	sadd.s32 $0xFFFFFEF7, lr;
	s5 =	simm.s32 $0xFFFFFFFF;
	p2 =	slt.u32 s8, $0xFFFFF086  }
0x1c: {  	p1 =	slt.u32 s9, $0xF7A;
	s5 =	simm.s32 @!p2 $0x0  }
0x1d: {  	s5 =	simm.s32 @p1 $0x1;
	p0 =	seq.s32 s7, s2  }
0x1e: {  	s7 =	smul.u32 @!p0 $0xF7A, s2;
	p2 =	seq.s32 @!p0 s5, $0x0  }
0x1f: {  	s9 =	smul.u32 $0xF7A, s1;
	s8 =	simm.s32 @!p0 $0x1BF5;
	p2 =	por !p2, p0  }
0x20: {  	[sflag:s8] =	ssyncset.s32 @!p0 $0xFFFFF086;
	s6 =	sadd.s32 @!p0 s3, s7;
	s7 =	simm.s32 @!p0 $0x108  }
0x21: {  	s3 =	sadd.s32 s3, s9;
	s6 =	sadd.s32 @!p0 $0x88, s6;
	s7 =	simm.s32 @p2 $0x1082  }
0x22: {  	[simem:s7], [sflag:s8] =	dma.local @!p0 [hbm:s6], $0xF7A  }
0x23: {  	s9 =	sor.u32 $0xD0000000, s2;
	s6 =	simm.s32 $0x108;
	_ =	swait.ge @!p0 [sflag:s8], $0x0  }
0x24: {  	s3 =	sadd.s32 $0x88, s3;
	s6 =	simm.s32 @!p1 $0x1082;
	[sflag:s4] =	ssyncset.s32 $0xFFFFF086  }
0x25: {  	[simem:s6], [sflag:s4] =	dma.local [hbm:s3], $0xF7A  }
0x26: {  	[smem:$0x3F9F] =	sst s1;
	(tag) =	ssettag s2;
	_ =	strace s9  }
0x27: {  	s1 =	sld [smem:$0x3FAF]  }
0x28: {  	s2 =	sld [smem:$0x3FB0]  }
0x29: {  	s4 =	sld [smem:$0x3FB2]  }
0x2a: {  	p0 =	seq.s32 s5, $0x0;
	s5 =	sld [smem:$0x3FB3]  }
0x2b: {  	s6 =	sld [smem:$0x3FB4]  }
0x2c: {  	s7 =	sld [smem:$0x3FB5]  }
0x2d: {  	s3 =	simm.s32 $0x108;
	s8 =	sld [smem:$0x3FB6]  }
0x2e: {  	s3 =	simm.s32 @!p0 $0x1082;
	s9 =	sld [smem:$0x3FB7]  }
0x2f: {  	lr =	sadd.s32 s0, s3;
	s0 =	sld [smem:$0x3FAE]  }
0x30: {  	s3 =	sld [smem:$0x3FB1]  }
0x31: {  	[smem:$0x3FBA] =	sst s10  }
0x32: {  	s10 =	sld [smem:$0x3FB8];
	_ =	sdelay $0x3  }
0x33: {  	p0 =	seq.s32 s10, $0x1;
	s10 =	sld [smem:$0x3FBA];
	_ =	sdelay $0x3  }
0x34: {  	[smem:$0x3FBA] =	sst s10  }
0x35: {  	s10 =	sld [smem:$0x3FB9];
	_ =	sdelay $0x3  }
0x36: {  	p1 =	seq.s32 s10, $0x1;
	s10 =	sld [smem:$0x3FBA];
	_ =	sdelay $0x3  }
0x37: {  	[smem:$0x3FBA] =	sst s10  }
0x38: {  	s10 =	sld [smem:$0x3FBB]  }
0x39: {  	_ = 	snop;
	(pc) =	sbr.ind lr, $3  }
0x3a: {  	_ = 	snop  }
0x3b: {  	_ = 	snop  }
0x3c: {  	p2 =	seq.s32 s10, $0x1;
	s10 =	sld [smem:$0x3FBA]  }
0x3d: {  	_ =	shalt  }
0x3e: {  	_ =	shalt  }
0x3f: {  	_ =	shalt  }
0x40: {  	_ =	shalt  }
0x41: {  	_ =	shalt  }
0x42: {  	_ =	shalt  }
0x43: {  	_ =	shalt  }
0x44: {  	_ =	shalt  }
0x45: {  	_ =	shalt  }
0x46: {  	_ =	shalt  }
0x47: {  	_ =	shalt  }
0x48: {  	_ =	shalt  }
0x49: {  	_ =	shalt  }
0x4a: {  	_ =	shalt  }
0x4b: {  	_ =	shalt  }
0x4c: {  	_ =	shalt  }
0x4d: {  	_ =	shalt  }
0x4e: {  	_ =	shalt  }
0x4f: {  	_ =	shalt  }
0x50: {  	_ =	shalt  }
0x51: {  	_ =	shalt  }
0x52: {  	_ =	shalt  }
0x53: {  	_ =	shalt  }
0x54: {  	_ =	shalt  }
0x55: {  	_ =	shalt  }
0x56: {  	_ =	shalt  }
0x57: {  	_ =	shalt  }
0x58: {  	_ =	shalt  }
0x59: {  	_ =	shalt  }
0x5a: {  	_ =	shalt  }
0x5b: {  	_ =	shalt  }
0x5c: {  	_ =	shalt  }
0x5d: {  	_ =	shalt  }
0x5e: {  	_ =	shalt  }
0x5f: {  	_ =	shalt  }
0x60: {  	_ =	shalt  }
0x61: {  	_ =	shalt  }
0x62: {  	_ =	shalt  }
0x63: {  	_ =	shalt  }
0x64: {  	_ =	shalt  }
0x65: {  	_ =	shalt  }
0x66: {  	_ =	shalt  }
0x67: {  	_ =	shalt  }
0x68: {  	_ =	shalt  }
0x69: {  	_ =	shalt  }
0x6a: {  	_ =	shalt  }
0x6b: {  	_ =	shalt  }
0x6c: {  	_ =	shalt  }
0x6d: {  	_ =	shalt  }
0x6e: {  	_ =	shalt  }
0x6f: {  	_ =	shalt  }
0x70: {  	_ =	shalt  }
0x71: {  	_ =	shalt  }
0x72: {  	_ =	shalt  }
0x73: {  	_ =	shalt  }
0x74: {  	_ =	shalt  }
0x75: {  	_ =	shalt  }
0x76: {  	_ =	shalt  }
0x77: {  	_ =	shalt  }
0x78: {  	_ =	shalt  }
0x79: {  	_ =	shalt  }
0x7a: {  	_ =	shalt  }
0x7b: {  	_ =	shalt  }
0x7c: {  	_ =	shalt  }
0x7d: {  	_ =	shalt  }
0x7e: {  	_ =	shalt  }
0x7f: {  	_ =	shalt  }
0x80: {  	_ =	shalt  }
0x81: {  	_ =	shalt  }
0x82: {  	_ =	shalt  }
0x83: {  	_ =	shalt  }
0x84: {  	_ =	shalt  }
0x85: {  	_ =	shalt  }
0x86: {  	_ =	shalt  }
0x87: {  	_ =	shalt  }
.Lfunc_end0:
.L_simem_size_0:
called_computation_lowered:
.L_overlay_start_0:
0x88: {  	s2 =	sld [smem:$0x3FD9]  }
0x89: {  	s3 =	sld [smem:$0x3FFE];
	_ =	sdelay $0x1  }
0x8a: {  	s1 =	srdreg.scid  }
0x8b: {  	s0 =	sand.u32 $0x1, s1  }
0x8c: {  	s18 =	sshll.u32 s0, $0xA;
	s2 =	sadd.s32 s3, s2  }
0x8d: {  	s2 =	sadd.s32 s2, s18  }
0x8e: {  	[smem:$0x3FC6] =	sst s2  }
0x8f: {  	_ = 	snop  }
0x90: {  	s2 =	sld [smem:$0x3FC9]  }
0x91: {  	s19 =	sld [smem:$0x3FC8]  }
0x92: {  	s4 =	sld [smem:$0x3FD0];
	(tm) =	ssettm $0x1  }
0x93: {  	s5 =	sld [smem:$0x3FFB];
	_ =	sdelay $0x3  }
0x94: {  	_ =	strace s5  }
0x95: {  	s5 =	sld [smem:$0x3FFC];
	_ =	sdelay $0x3  }
0x96: {  	_ =	strace s5  }
0x97: {  	s5 =	sld [smem:$0x3FFD];
	_ =	sdelay $0x3  }
0x98: {  	_ =	strace s5  }
0x99: {  	_ =	strace $0x8FFFFFFF  }
0x9a: {  	s20 =	sld [smem:$0x3FDB];
	_ =	sdelay $0x1  }
0x9b: {  	s6 =	simm.s32 $_scs_section_size  }
0x9c: {  	s7 =	simm.s32 $_size__tile_overlayer_lowered;
	s8 =	simm.s32 $_tile_overlayer_lowered  }
0x9d: {  	s23 =	simm.s32 $0x1BFF;
	s22 =	sshll.u32 s8, $0x1;
	s5 =	sadd.s32 s6, s20  }
0x9e: {  	s9 =	simm.s32 $0x0;
	s21 =	sshll.u32 s7, $0x1;
	s7 =	sadd.s32 s22, s5  }
0x9f: {  	[timem:s9], [sflag:s23] =	dma.local [hbm:s7], s21  }
0xa0: {  	_ =	swait.ge [sflag:s23], s21  }
0xa1: {  	s6 =	ssub.s32 $0x0, s21;
	[sflag:s23] =	ssyncset.done $0x0  }
0xa2: {  	[sflag:s23] =	ssyncadd.s32 s6;
	_ =	sdelay $0x1  }
0xa3: {  	s24 =	simm.s32 $0x1B8B  }
0xa4: {  	_ =	swait.ge [sflag:s24], $0x1  }
0xa5: {  	[sflag:s24] =	ssyncset.done $0x0  }
0xa6: {  	s25 =	simm.s32 $0x1B8E;
	[sflag:s24] =	ssyncadd.s32 $0xFFFFFFFF  }
0xa7: {  	s26 =	simm.s32 $execute0_lowered;
	[smem:$0x3FD2] =	sst s25  }
0xa8: {  	s6 =	sshll.u32 s26, $0x1;
	_ =	strace $0x80000046;
	[dreg:$0x1] =	wrdreg $0xFFFFFFFF  }
0xa9: {  	s28 =	simm.s32 $_size_execute0_lowered;
	s5 =	sadd.s32 s5, s6;
	[dreg:$0x0] =	wrdreg $0x0  }
0xaa: {  	s6 =	sshll.u32 s28, $0x1;
	[dreg:$0x2] =	wrdreg s5  }
0xab: {  	[dreg:$0x3] =	wrdreg s6  }
0xac: {  	[dreg:$0x4] =	wrdreg $0xC0  }
0xad: {  	_ =	task [dreg:s9], $0x5FFFF  }
0xae: {  	[dreg:$0x1] =	wrdreg $0xFFFFFFFF  }
0xaf: {  	[dreg:$0x0] =	wrdreg $0x60  }
0xb0: {  	[dreg:$0x2] =	wrdreg s2  }
0xb1: {  	[dreg:$0x3] =	wrdreg s19  }
0xb2: {  	[dreg:$0x4] =	wrdreg s4  }
0xb3: {  	[dreg:$0x5] =	wrdreg $0x9  }
0xb4: {  	_ =	task.clear_ibuf [dreg:s9], $0x6FFFF;
	_ =	strace $0x90000046  }
0xb5: {  	s29 =	simm.s32 $0x9;
	_ =	strace $0x80000048  }
0xb6: {  	_ =	swait.ge [sflag:s29], $0x1  }
0xb7: {  	[sflag:s29] =	ssyncadd.s32 $0xFFFFFFFF  }
0xb8: {  	_ =	strace $0x90000048  }
0xb9: {  	_ =	sfence  }
0xba: {  	s30 =	sld [smem:$0x0];
	_ =	sdelay $0x2  }
0xbb: {  	s31 =	sshll.u32 s1, $0xD;
	s1 =	sshrl.u32 s1, $0x2  }
0xbc: {  	s3 =	sand.u32 $0x4000, s31;
	s1 =	sadd.s32 s1, s30  }
0xbd: {  	s0 =	sor.u32 s3, s0;
	s1 =	sshll.u32 s1, $0x11  }
0xbe: {  	s0 =	sor.u32 s1, s0  }
0xbf: {  	s0 =	sadd.s32 $0x8F2B, s0  }
0xc0: {  	[sflag:s0] =	ssyncadd.remote.s32 $0x1  }
0xc1: {  	_ =	sfence.sel $0xFFFF  }
0xc2: {  	[dreg:$0x0] =	wrdreg $0xFFFFFFFF;
	(pc) =	sbr.abs _section_cstart, $3  }
0xc3: {  	[dreg:$0x1] =	wrdreg $0xFFFFFFFF  }
0xc4: {  	_ =	task.clear_ibuf [dreg:s9], $0x2FFFF;
	_ =	strace $0x9FFFFFFF  }
0xc5: {  	(tm) =	ssettm $0x7FFFFFFF  }
tec
execute0_lowered:
.L_overlay_start_1:
0x0: {  	(tag) =	ssettag $0x1  }
0x1: {  	s0 =	srdreg.scid;
	s1 =	stileid.u32  }
0x2: {  	s0 =	sand.u32 $0x1, s0;
	s1 =	sshll.u32 s1, $0x1  }
0x3: {  	s1 =	sor.u32 s0, s1  }
0x4: {  	s4 =	smul.u32 $0x18, s1  }
0x5: {  	s3 =	rddreg [dreg:$0x0];
	s5 =	simm.s32 $0x0;
	s1 =	smul.u32 $0x6000, s1  }
0x6: {  	s12 =	simm.s32 $0x400;
	[smem:$0x7FF] =	sst s5;
	s0 =	ssub.s32 $0x2, s0  }
0x7: {  	_ =	strace $0x80000047;
	s1 =	sadd.s32 s3, s1;
	[dreg:$0x4] =	wrdreg s4  }
0x8: {  	s2 =	sshrl.u32 s0, $0x1;
	s30 =	sor.u32 $0x3, s4;
	[dreg:$0x5] =	wrdreg s1  }
0x9: {  	s0 =	ssub.s32 s0, s2;
	s31 =	sor.u32 $0x6, s4;
	[dreg:$0x6] =	wrdreg s30  }
0xa: {  	s14 =	simm.s32 $0x6400;
	s0 =	smax.u32 s0, $0x1;
	[dreg:$0x7] =	wrdreg s31  }
0xb: {  	s16 =	simm.s32 $0x2;
	s2 =	simm.s32 $0x0;
	[dreg:$0x8] =	wrdreg s0  }
.LBB2_1:
0xc: {  	[dreg:$0x9] =	wrdreg s2  }
0xd: {  	s0 =	rddreg [dreg:$0x1];
	s30 =	simm.s32 $0x5  }
0xe: {  	[tilespmem:s5], [sflag:$0x5] =	stream.linear.gather [hbm4b:s0+s5], $0x400, $0x38;
	[tilespmem:$0x18400] =	vst v63  }
0xf: {  	_ =	swait.ge [sflag:s30], $0x400  }
0x10: {  	[sflag:s30] =	ssyncset.done $0x0  }
0x11: {  	s21 =	simm.s32 $0x0;
	s31 =	rddreg [dreg:$0x5];
	[sflag:s30] =	ssyncadd.s32 $0xFFFFFC00  }
0x12: {  	[tilespmem:s12], [sflag:$0x1] =	stream.linear.gather [hbm4b:s31+s5], $0x6000, $0x38;
	[tilespmem:$0x18400] =	vst v63  }
.LBB2_2:
0x13: {  	s23 =	smul.u32 $0x6, s21;
	s1 =	simm.s32 $0x1  }
0x14: {  	s0 =	rddreg [dreg:$0x6];
	_ =	swait.ge [sflag:s1], $0x6000  }
0x15: {  	s0 =	sadd.s32 s23, s0;
	[sflag:s1] =	ssyncset.done $0x0  }
0x16: {  	s0 =	sshll.u32 s0, $0xA;
	[sflag:s1] =	ssyncadd.s32 $0xFFFFA000  }
0x17: {  	s22 =	sand.u32 $0x1FFFFC00, s0;
	s30 =	rddreg [dreg:$0x0]  }
0x18: {  	p0 =	seq.s32 s21, $0x0;
	s0 =	sadd.s32 s30, s22  }
0x19: {  	[tilespmem:s14], [sflag:$0x2] =	stream.linear.gather [hbm4b:s0+s5], $0x6000, $0x38;
	[tilespmem:$0x18400] =	vst v63  }
0x1a: {  	s0 =	simm.s32 @!p0 $0x3  }
0x1b: {  	_ =	swait.ge @!p0 [sflag:s0], $0x6000  }
0x1c: {  	[sflag:s0] =	ssyncset.done @!p0 $0x0;
	s31 =	rddreg [dreg:$0x4]  }
0x1d: {  	s25 =	simm.s32 $0x0;
	s24 =	sadd.s32 s31, s23;
	[sflag:s0] =	ssyncadd.s32 @!p0 $0xFFFFA000  }
.LBB2_3:
0x1e: {  	s0 =	sshll.u32 s25, $0x7  }
0x1f: {  	s0 =	sand.u32 $0x3FFFFF80, s0  }
0x20: {  	v1 =	vld [tilespmem:s0+$0x0];
	_ =	sdelay $0x4  }
0x21: {  	s1 =	simm.s32 $0x0;
	s3 =	simm.s32 $0x0;
	v0 =	vshll.u32 v1, $0x3  }
0x22: {  	s1 =	sand.u32 $0x6, s1;
	s2 =	sand.u32 $0xFFFFE000, s3;
	v3 =	vld [tilespmem:s0+$0x10];
	v0 =	vand.u32 $0xFFFFFC00, v0  }
0x23: {  	s17 =	sshll.u32 s1, $0x7;
	v1 =	vand.u32 $0x7F, v1;
	v2 =	vadd.s32 s2, v0  }
0x24: {  	s20 =	sor.u32 $0x80, s17;
	v4 =	vor.u32 v1, v2  }
0x25: {  	v5 =	vor.u32 s20, v4  }
0x26: {  	v6 =	vld [tilespmem:s0+$0x20];
	v4 =	vor.u32 s17, v4  }
0x27: {  	v2 =	vshll.u32 v3, $0x3  }
0x28: {  	v9 =	vld [tilespmem:s0+$0x30];
	v2 =	vand.u32 $0xFFFFFC00, v2  }
0x29: {  	v10 =	vld [tilespmem:s0+$0x40];
	v3 =	vand.u32 $0x7F, v3;
	v7 =	vadd.s32 s2, v2  }
0x2a: {  	s13 =	sshll.u32 s25, $0xA;
	s15 =	simm.s32 $0x2;
	v7 =	vor.u32 v3, v7;
	v5 =	vld.idx.msk [tilespmem:v5+s12+$0x0], $0xffff  }
0x2b: {  	s6 =	simm.s32 $0x800;
	s3 =	sand.u32 $0x3FFFE000, s3;
	s1 =	sand.u32 $0x3FFFFC00, s13;
	v11 =	vshll.u32 v6, $0x3;
	v8 =	vor.u32 s20, v7;
	v16 =	vld.idx.msk [tilespmem:v4+s12+$0x0], $0xffff  }
0x2c: {  	s4 =	sand.u32 $0xFFFFE000, s6;
	v12 =	vld [tilespmem:s0+$0x50];
	s31 =	sadd.s32 $0xC400, s1;
	s1 =	sand.u32 $0x6, s15;
	v4 =	vand.u32 $0xFFFFFC00, v11;
	v11 =	vor.u32 s17, v7  }
0x2d: {  	v15 =	vld [tilespmem:s0+$0x60];
	s3 =	sadd.s32 s3, s31;
	s29 =	sshll.u32 s1, $0x7;
	v14 =	vadd.s32 s4, v0  }
0x2e: {  	v13 =	vld [tilespmem:s0+$0x70];
	s1 =	sadd.s32 s20, s3;
	s0 =	sor.u32 $0x80, s29;
	v14 =	vor.u32 v1, v14  }
0x2f: {  	s7 =	sadd.s32 s17, s3;
	v7 =	vand.u32 $0x7F, v6;
	v6 =	vadd.s32 s2, v4;
	[tilespmem:s1+$0x0] =	vst v5;
	v5 =	vor.u32 s0, v14  }
0x30: {  	v6 =	vor.u32 v7, v6;
	[tilespmem:s7+$0x0] =	vst v16;
	v17 =	vld.idx.msk [tilespmem:v8+s12+$0x0], $0xffff  }
0x31: {  	v18 =	vor.u32 s20, v6;
	v11 =	vld.idx.msk [tilespmem:v11+s12+$0x0], $0xffff  }
0x32: {  	s8 =	simm.s32 $0x1000;
	v19 =	vor.u32 s17, v6  }
0x33: {  	s19 =	sand.u32 $0xFFFFE000, s8;
	s8 =	sand.u32 $0x3FFFE000, s8;
	v28 =	vshll.u32 v13, $0x3;
	v16 =	vadd.s32 s4, v2;
	v8 =	vshll.u32 v9, $0x3  }
0x34: {  	s18 =	simm.s32 $0x4;
	s15 =	simm.s32 $0x1800;
	s13 =	sadd.s32 s8, s31;
	v23 =	vadd.s32 s19, v0;
	v16 =	vor.u32 v3, v16;
	v8 =	vand.u32 $0xFFFFFC00, v8;
	v20 =	vld.idx.msk [tilespmem:v5+s12+$0x0], $0xffff  }
0x35: {  	s8 =	sand.u32 $0xFFFFE000, s15;
	s3 =	sand.u32 $0x6, s18;
	s18 =	simm.s32 $0x6;
	v6 =	vand.u32 $0x7F, v9;
	v5 =	vadd.s32 s2, v8;
	[tilespmem:s1+$0x10] =	vst v17;
	v17 =	vor.u32 s0, v16  }
0x36: {  	s9 =	sand.u32 $0x3FFFE000, s6;
	s10 =	sand.u32 $0x6, s18;
	v40 =	vadd.s32 s8, v2;
	v14 =	vor.u32 s29, v14;
	v21 =	vor.u32 v6, v5;
	[tilespmem:s7+$0x10] =	vst v11;
	v18 =	vld.idx.msk [tilespmem:v18+s12+$0x0], $0xffff  }
0x37: {  	s9 =	sadd.s32 s9, s31;
	s26 =	sshll.u32 s3, $0x7;
	s10 =	sshll.u32 s10, $0x7;
	v43 =	vor.u32 v3, v40;
	v9 =	vshll.u32 v10, $0x3;
	v22 =	vor.u32 s20, v21;
	v19 =	vld.idx.msk [tilespmem:v19+s12+$0x0], $0xffff  }
0x38: {  	s30 =	sadd.s32 s0, s9;
	s28 =	sor.u32 $0x80, s26;
	s11 =	sor.u32 $0x80, s10;
	v5 =	vand.u32 $0x7F, v10;
	v10 =	vor.u32 v1, v23;
	v21 =	vor.u32 s17, v21  }
0x39: {  	v42 =	vor.u32 s11, v43;
	v23 =	vadd.s32 s4, v4;
	[tilespmem:s30+$0x0] =	vst v20;
	v20 =	vor.u32 s28, v10  }
0x3a: {  	v9 =	vand.u32 $0xFFFFFC00, v9;
	v26 =	vor.u32 s29, v16;
	v23 =	vor.u32 v7, v23;
	v17 =	vld.idx.msk [tilespmem:v17+s12+$0x0], $0xffff  }
0x3b: {  	v24 =	vadd.s32 s2, v9;
	v11 =	vand.u32 $0x7F, v12;
	v25 =	vor.u32 s0, v23;
	[tilespmem:s1+$0x20] =	vst v18;
	v18 =	vld.idx.msk [tilespmem:v14+s12+$0x0], $0xffff  }
0x3c: {  	v12 =	vshll.u32 v12, $0x3;
	v16 =	vadd.s32 s19, v2;
	v24 =	vor.u32 v5, v24;
	[tilespmem:s7+$0x20] =	vst v19;
	v22 =	vld.idx.msk [tilespmem:v22+s12+$0x0], $0xffff  }
0x3d: {  	v12 =	vand.u32 $0xFFFFFC00, v12;
	v30 =	vor.u32 v3, v16;
	v27 =	vor.u32 s20, v24;
	v21 =	vld.idx.msk [tilespmem:v21+s12+$0x0], $0xffff  }
0x3e: {  	v16 =	vand.u32 $0xFFFFFC00, v28;
	v29 =	vadd.s32 s2, v12;
	v24 =	vor.u32 s17, v24;
	v20 =	vld.idx.msk [tilespmem:v20+s12+$0x0], $0xffff  }
0x3f: {  	s3 =	sadd.s32 s29, s9;
	v34 =	vor.u32 s26, v10;
	v28 =	vor.u32 v11, v29;
	v19 =	vadd.s32 s4, v8;
	[tilespmem:s30+$0x10] =	vst v17  }
0x40: {  	v14 =	vshll.u32 v15, $0x3;
	v29 =	vor.u32 v6, v19;
	v17 =	vor.u32 s28, v30;
	v25 =	vld.idx.msk [tilespmem:v25+s12+$0x0], $0xffff;
	[tilespmem:s3+$0x0] =	vst v18  }
0x41: {  	v23 =	vor.u32 s29, v23;
	v14 =	vand.u32 $0xFFFFFC00, v14;
	[tilespmem:s1+$0x30] =	vst v22;
	v22 =	vor.u32 s0, v29;
	v26 =	vld.idx.msk [tilespmem:v26+s12+$0x0], $0xffff  }
0x42: {  	v31 =	vadd.s32 s2, v16;
	v32 =	vor.u32 s17, v28;
	v18 =	vadd.s32 s2, v14;
	s2 =	sadd.s32 s28, s13;
	[tilespmem:s7+$0x30] =	vst v21;
	v27 =	vld.idx.msk [tilespmem:v27+s12+$0x0], $0xffff  }
0x43: {  	v21 =	vld.idx.msk [tilespmem:v24+s12+$0x0], $0xffff;
	[tilespmem:s2+$0x0] =	vst v20;
	v20 =	vor.u32 s20, v28;
	v28 =	vadd.s32 s8, v0  }
0x44: {  	v33 =	vadd.s32 s4, v9;
	v10 =	vadd.s32 s19, v4;
	v34 =	vld.idx.msk [tilespmem:v34+s12+$0x0], $0xffff;
	v28 =	vor.u32 v1, v28  }
0x45: {  	v63 =	vadd.s32 s19, v9;
	v17 =	vld.idx.msk [tilespmem:v17+s12+$0x0], $0xffff;
	[tilespmem:s30+$0x20] =	vst v25;
	v24 =	vor.u32 s11, v28;
	v25 =	vor.u32 v7, v10  }
0x46: {  	v13 =	vand.u32 $0x7F, v13;
	v30 =	vor.u32 s26, v30;
	v22 =	vld.idx.msk [tilespmem:v22+s12+$0x0], $0xffff;
	[tilespmem:s3+$0x10] =	vst v26;
	v37 =	vor.u32 s28, v25  }
0x47: {  	v10 =	vand.u32 $0x7F, v15;
	v15 =	vadd.s32 s19, v12;
	v26 =	vadd.s32 s19, v8;
	[tilespmem:s1+$0x40] =	vst v27;
	v23 =	vld.idx.msk [tilespmem:v23+s12+$0x0], $0xffff  }
0x48: {  	v27 =	vor.u32 s26, v25;
	v25 =	vor.u32 s29, v29;
	v29 =	vor.u32 v5, v33;
	[tilespmem:s7+$0x40] =	vst v21;
	v20 =	vld.idx.msk [tilespmem:v20+s12+$0x0], $0xffff  }
0x49: {  	v41 =	vor.u32 v10, v18;
	v21 =	vor.u32 v11, v15;
	v39 =	vor.u32 s0, v29;
	v32 =	vld.idx.msk [tilespmem:v32+s12+$0x0], $0xffff  }
0x4a: {  	v55 =	vor.u32 s20, v41;
	v15 =	vadd.s32 s19, v16;
	[tilespmem:s2+$0x10] =	vst v17;
	v17 =	vadd.s32 s19, v14;
	s19 =	sand.u32 $0x3FFFE000, s15;
	s15 =	sadd.s32 s26, s13;
	v24 =	vld.idx.msk [tilespmem:v24+s12+$0x0], $0xffff  }
0x4b: {  	v46 =	vadd.s32 s8, v8;
	v31 =	vor.u32 v13, v31;
	v44 =	vor.u32 s10, v28;
	[tilespmem:s15+$0x0] =	vst v34;
	v37 =	vld.idx.msk [tilespmem:v37+s12+$0x0], $0xffff  }
0x4c: {  	v45 =	vor.u32 s20, v31;
	v19 =	vadd.s32 s4, v12;
	v30 =	vld.idx.msk [tilespmem:v30+s12+$0x0], $0xffff;
	[tilespmem:s3+$0x20] =	vst v23  }
0x4d: {  	v36 =	vadd.s32 s4, v14;
	v35 =	vor.u32 v11, v19;
	[tilespmem:s30+$0x30] =	vst v22;
	v22 =	vor.u32 s17, v41;
	v56 =	vld.idx.msk [tilespmem:v25+s12+$0x0], $0xffff  }
0x4e: {  	v19 =	vadd.s32 s4, v16;
	v26 =	vor.u32 v6, v26;
	v29 =	vor.u32 s29, v29;
	s4 =	sadd.s32 s19, s31;
	v39 =	vld.idx.msk [tilespmem:v39+s12+$0x0], $0xffff;
	[tilespmem:s1+$0x50] =	vst v20  }
0x4f: {  	s6 =	simm.s32 $0x2000;
	v46 =	vor.u32 v6, v46;
	v60 =	vor.u32 s17, v31;
	v57 =	vor.u32 s28, v26;
	s18 =	sadd.s32 s11, s4;
	[tilespmem:s7+$0x50] =	vst v32;
	v40 =	vld.idx.msk [tilespmem:v55+s12+$0x0], $0xffff  }
0x50: {  	v62 =	vor.u32 v5, v63;
	v38 =	vor.u32 s29, v35;
	v35 =	vor.u32 s0, v35;
	s13 =	sand.u32 $0xFFFFE000, s6;
	v55 =	vld.idx.msk [tilespmem:v44+s12+$0x0], $0xffff;
	[tilespmem:s18+$0x0] =	vst v24  }
0x51: {  	v18 =	vor.u32 s26, v21;
	v51 =	vor.u32 s26, v26;
	s19 =	simm.s32 $0x8;
	v59 =	vadd.s32 s13, v0;
	v42 =	vld.idx.msk [tilespmem:v42+s12+$0x0], $0xffff;
	[tilespmem:s2+$0x20] =	vst v37  }
0x52: {  	v52 =	vadd.s32 s13, v2;
	s9 =	sand.u32 $0x6, s19;
	v31 =	vor.u32 v1, v59;
	v23 =	vadd.s32 s8, v4;
	v58 =	vld.idx.msk [tilespmem:v22+s12+$0x0], $0xffff;
	[tilespmem:s3+$0x30] =	vst v56  }
0x53: {  	s20 =	sshll.u32 s9, $0x7;
	v23 =	vor.u32 v7, v23;
	v25 =	vadd.s32 s8, v9;
	v20 =	vadd.s32 s8, v12;
	[tilespmem:s15+$0x10] =	vst v30;
	v49 =	vld.idx.msk [tilespmem:v29+s12+$0x0], $0xffff  }
0x54: {  	v36 =	vor.u32 v10, v36;
	s17 =	sor.u32 $0x80, s20;
	v34 =	vor.u32 s20, v31;
	v28 =	vor.u32 s10, v23;
	v47 =	vld.idx.msk [tilespmem:v57+s12+$0x0], $0xffff;
	[tilespmem:s30+$0x40] =	vst v39  }
0x55: {  	v48 =	vor.u32 s11, v23;
	v23 =	vor.u32 v11, v20;
	v61 =	vor.u32 s17, v31;
	v53 =	vld.idx.msk [tilespmem:v27+s12+$0x0], $0xffff;
	[tilespmem:s1+$0x60] =	vst v40  }
0x56: {  	v20 =	vadd.s32 s8, v16;
	v24 =	vor.u32 s10, v23;
	v22 =	vadd.s32 s8, v14;
	v50 =	vld.idx.msk [tilespmem:v35+s12+$0x0], $0xffff;
	[tilespmem:s18+$0x10] =	vst v42  }
0x57: {  	v32 =	vadd.s32 s13, v8;
	v30 =	vadd.s32 s13, v9;
	v37 =	vor.u32 s26, v62;
	v54 =	vld.idx.msk [tilespmem:v45+s12+$0x0], $0xffff;
	[tilespmem:s7+$0x60] =	vst v58  }
0x58: {  	v63 =	vor.u32 v3, v52;
	s4 =	sadd.s32 s10, s4;
	v56 =	vor.u32 s28, v62;
	v39 =	vor.u32 s29, v36;
	v42 =	vld.idx.msk [tilespmem:v60+s12+$0x0], $0xffff;
	[tilespmem:s3+$0x40] =	vst v49  }
0x59: {  	v27 =	vadd.s32 s13, v12;
	v29 =	vadd.s32 s13, v4;
	[tilespmem:s4+$0x0] =	vst v55;
	v40 =	vld.idx.msk [tilespmem:v38+s12+$0x0], $0xffff;
	v38 =	vor.u32 s10, v43  }
0x5a: {  	v35 =	vor.u32 v11, v27;
	v26 =	vor.u32 v7, v29;
	v45 =	vld.idx.msk [tilespmem:v61+s12+$0x0], $0xffff;
	[tilespmem:s2+$0x30] =	vst v47;
	v47 =	vor.u32 s0, v36  }
0x5b: {  	s6 =	sand.u32 $0x3FFFE000, s6;
	v31 =	vor.u32 s20, v26;
	v33 =	vor.u32 s17, v26;
	v44 =	vld.idx.msk [tilespmem:v48+s12+$0x0], $0xffff;
	[tilespmem:s15+$0x20] =	vst v53;
	v48 =	vor.u32 s17, v63  }
0x5c: {  	s6 =	sadd.s32 s6, s31;
	v29 =	vadd.s32 s13, v16;
	v26 =	vadd.s32 s13, v14;
	v36 =	vor.u32 s10, v46;
	v41 =	vld.idx.msk [tilespmem:v51+s12+$0x0], $0xffff;
	[tilespmem:s30+$0x50] =	vst v50  }
0x5d: {  	v27 =	vor.u32 s20, v35;
	v46 =	vor.u32 s11, v46;
	v49 =	vor.u32 s20, v63;
	[tilespmem:s1+$0x70] =	vst v54;
	s1 =	sadd.s32 s17, s6;
	v43 =	vld.idx.msk [tilespmem:v56+s12+$0x0], $0xffff  }
.LBB2_4:
0x5e: {  	s19 =	sadd.s32 $0x2, s19;
	v50 =	vld.idx.msk [tilespmem:v38+s12+$0x0], $0xffff;
	[tilespmem:s7+$0x70] =	vst v42;
	v38 =	vmov v49;
	s7 =	smov.u32 s3;
	s3 =	smov.u32 s15  }
0x5f: {  	v42 =	vor.u32 s28, v21;
	v49 =	vor.u32 v13, v19;
	v21 =	vmovc v23;
	v23 =	vmov v35;
	s8 =	sand.u32 $0x6, s19;
	s9 =	sshll.u32 s19, $0xA;
	p0 =	slt.u32 s19, $0x16;
	[tilespmem:s1+$0x0] =	vst v45;
	v45 =	vld.idx.msk [tilespmem:v47+s12+$0x0], $0xffff  }
0x60: {  	v19 =	vmovc v15;
	v15 =	vmovc v20;
	v20 =	vmov v29;
	s13 =	sand.u32 $0xFFFFE000, s9;
	s8 =	sshll.u32 s8, $0x7;
	s9 =	sand.u32 $0x3FFFE000, s9;
	v47 =	vld.idx.msk [tilespmem:v48+s12+$0x0], $0xffff;
	[tilespmem:s7+$0x50] =	vst v40;
	v40 =	vor.u32 s29, v49;
	v48 =	vor.u32 s0, v49  }
0x61: {  	s29 =	smov.u32 s26;
	s26 =	smov.u32 s10;
	s10 =	smov.u32 s20;
	v29 =	vadd.s32 s13, v0;
	v49 =	vadd.s32 s13, v2;
	v35 =	vadd.s32 s13, v4;
	[tilespmem:s18+$0x20] =	vst v44;
	v39 =	vld.idx.msk [tilespmem:v39+s12+$0x0], $0xffff  }
0x62: {  	s0 =	smov.u32 s28;
	s28 =	smov.u32 s11;
	v51 =	vadd.s32 s13, v8;
	s20 =	smov.u32 s8;
	v29 =	vor.u32 v1, v29;
	v35 =	vor.u32 v7, v35;
	v44 =	vld.idx.msk [tilespmem:v46+s12+$0x0], $0xffff;
	[tilespmem:s3+$0x30] =	vst v41  }
0x63: {  	s11 =	smov.u32 s17;
	s8 =	sadd.s32 s9, s31;
	v52 =	vadd.s32 s13, v9;
	s17 =	sor.u32 $0x80, s20;
	v41 =	vor.u32 s20, v29;
	v46 =	vor.u32 s20, v35;
	v53 =	vld.idx.msk [tilespmem:v37+s12+$0x0], $0xffff;
	[tilespmem:s2+$0x40] =	vst v43  }
0x64: {  	s15 =	smov.u32 s4;
	v37 =	vadd.s32 s13, v12;
	v43 =	vor.u32 s17, v29;
	s9 =	sadd.s32 s17, s8;
	v54 =	vor.u32 s17, v35;
	[tilespmem:s4+$0x10] =	vst v50;
	v50 =	vld.idx.msk [tilespmem:v42+s12+$0x0], $0xffff  }
0x65: {  	v55 =	vadd.s32 s13, v14;
	v29 =	vadd.s32 s13, v16;
	v35 =	vor.u32 v11, v37;
	v56 =	vld.idx.msk [tilespmem:v28+s12+$0x0], $0xffff;
	[tilespmem:s30+$0x60] =	vst v45;
	v28 =	vmovc v31  }
0x66: {  	v57 =	vor.u32 s20, v35;
	v31 =	vmov v46;
	[tilespmem:s1+$0x10] =	vst v47;
	v58 =	vld.idx.msk [tilespmem:v48+s12+$0x0], $0xffff  }
0x67: {  	v42 =	vor.u32 v5, v25;
	v25 =	vmovc v30;
	v30 =	vmov v52;
	v46 =	vld.idx.msk [tilespmem:v34+s12+$0x0], $0xffff;
	[tilespmem:s7+$0x60] =	vst v39;
	v34 =	vmov v41  }
0x68: {  	v37 =	vor.u32 s26, v42;
	v52 =	vor.u32 s28, v42;
	[tilespmem:s18+$0x30] =	vst v44;
	v42 =	vld.idx.msk [tilespmem:v40+s12+$0x0], $0xffff  }
.Ltmp0:
0x69: {  	v41 =	vor.u32 v10, v17;
	v17 =	vmovc v22;
	v22 =	vmov v26;
	v26 =	vmov v55;
	v45 =	vld.idx.msk [tilespmem:v43+s12+$0x0], $0xffff;
	[tilespmem:s3+$0x40] =	vst v53;
	(pc) =	sbr.rel @p0 .LBB2_4-.Ltmp0, $4  }
0x6a: {  	v39 =	vor.u32 s29, v41;
	v47 =	vor.u32 s0, v41;
	v43 =	vor.u32 v3, v49;
	v40 =	vld.idx.msk [tilespmem:v18+s12+$0x0], $0xffff;
	[tilespmem:s2+$0x50] =	vst v50;
	v18 =	vmovc v24  }
0x6b: {  	v49 =	vor.u32 s20, v43;
	v48 =	vor.u32 s17, v43;
	v24 =	vmovc v27;
	v27 =	vmovc v57;
	v44 =	vld.idx.msk [tilespmem:v33+s12+$0x0], $0xffff;
	[tilespmem:s15+$0x20] =	vst v56;
	v33 =	vmov v54  }
0x6c: {  	s4 =	sadd.s32 s10, s6;
	s6 =	smov.u32 s8;
	v43 =	vor.u32 v6, v32;
	v32 =	vmov v51;
	v41 =	vld.idx.msk [tilespmem:v36+s12+$0x0], $0xffff;
	[tilespmem:s30+$0x70] =	vst v58;
	s30 =	smov.u32 s2  }
0x6d: {  	v36 =	vor.u32 s10, v43;
	s2 =	smov.u32 s18;
	s18 =	smov.u32 s1;
	s1 =	smov.u32 s9;
	[tilespmem:s4+$0x0] =	vst v46;
	v46 =	vor.u32 s11, v43;
	v43 =	vld.idx.msk [tilespmem:v52+s12+$0x0], $0xffff  }
0x6e: {  	_ =	sdelay $0x3  }
0x6f: {  	v0 =	vld.idx.msk [tilespmem:v34+s12+$0x0], $0xffff;
	_ =	sdelay $0x3  }
0x70: {  	v1 =	vld.idx.msk [tilespmem:v38+s12+$0x0], $0xffff;
	[tilespmem:s1+$0x0] =	vst v45;
	s6 =	sadd.s32 s20, s6  }
0x71: {  	v2 =	vld.idx.msk [tilespmem:v48+s12+$0x0], $0xffff;
	[tilespmem:s6+$0x0] =	vst v0  }
0x72: {  	[tilespmem:s7+$0x70] =	vst v42;
	v0 =	vld.idx.msk [tilespmem:v49+s12+$0x0], $0xffff  }
0x73: {  	[tilespmem:s3+$0x50] =	vst v40  }
0x74: {  	[tilespmem:s18+$0x20] =	vst v44  }
0x75: {  	v3 =	vld.idx.msk [tilespmem:v47+s12+$0x0], $0xffff;
	[tilespmem:s4+$0x10] =	vst v1  }
0x76: {  	v1 =	vld.idx.msk [tilespmem:v28+s12+$0x0], $0xffff;
	[tilespmem:s1+$0x10] =	vst v2  }
0x77: {  	v4 =	vor.u32 v6, v32;
	v2 =	vld.idx.msk [tilespmem:v33+s12+$0x0], $0xffff;
	[tilespmem:s6+$0x10] =	vst v0  }
0x78: {  	v62 =	vor.u32 s17, v4;
	[tilespmem:s15+$0x30] =	vst v41;
	v63 =	vld.idx.msk [tilespmem:v31+s12+$0x0], $0xffff  }
0x79: {  	v4 =	vor.u32 s20, v4;
	v7 =	vld.idx.msk [tilespmem:v39+s12+$0x0], $0xffff;
	[tilespmem:s2+$0x40] =	vst v43  }
0x7a: {  	v8 =	vor.u32 s28, v21;
	v9 =	vor.u32 v13, v19;
	v11 =	vld.idx.msk [tilespmem:v46+s12+$0x0], $0xffff;
	[tilespmem:s30+$0x60] =	vst v3  }
0x7b: {  	v14 =	vor.u32 v5, v25;
	v21 =	vor.u32 s0, v9;
	v12 =	vld.idx.msk [tilespmem:v37+s12+$0x0], $0xffff;
	[tilespmem:s4+$0x20] =	vst v1  }
0x7c: {  	v28 =	vor.u32 s11, v14;
	v16 =	vld.idx.msk [tilespmem:v36+s12+$0x0], $0xffff;
	[tilespmem:s1+$0x20] =	vst v2  }
0x7d: {  	v32 =	vor.u32 v5, v30;
	v31 =	vor.u32 s10, v14;
	v0 =	vld.idx.msk [tilespmem:v62+s12+$0x0], $0xffff;
	[tilespmem:s6+$0x20] =	vst v63  }
0x7e: {  	[tilespmem:s3+$0x60] =	vst v7;
	v33 =	vor.u32 s17, v32;
	v4 =	vld.idx.msk [tilespmem:v4+s12+$0x0], $0xffff  }
0x7f: {  	v5 =	vor.u32 s20, v32;
	v34 =	vld.idx.msk [tilespmem:v8+s12+$0x0], $0xffff;
	[tilespmem:s18+$0x30] =	vst v11  }
0x80: {  	v40 =	vor.u32 v10, v17;
	v3 =	vld.idx.msk [tilespmem:v21+s12+$0x0], $0xffff;
	[tilespmem:s15+$0x40] =	vst v12  }
0x81: {  	v42 =	vor.u32 s28, v40;
	v1 =	vld.idx.msk [tilespmem:v28+s12+$0x0], $0xffff;
	[tilespmem:s4+$0x30] =	vst v16  }
0x82: {  	v37 =	vor.u32 s11, v23;
	v2 =	vld.idx.msk [tilespmem:v31+s12+$0x0], $0xffff;
	[tilespmem:s1+$0x30] =	vst v0  }
0x83: {  	v0 =	vld.idx.msk [tilespmem:v33+s12+$0x0], $0xffff;
	[tilespmem:s6+$0x30] =	vst v4  }
0x84: {  	v38 =	vor.u32 s17, v35;
	[tilespmem:s2+$0x50] =	vst v34;
	v5 =	vld.idx.msk [tilespmem:v5+s12+$0x0], $0xffff  }
0x85: {  	v41 =	vld.idx.msk [tilespmem:v18+s12+$0x0], $0xffff;
	[tilespmem:s30+$0x70] =	vst v3  }
0x86: {  	v43 =	vor.u32 s26, v40;
	v8 =	vld.idx.msk [tilespmem:v42+s12+$0x0], $0xffff;
	[tilespmem:s18+$0x40] =	vst v1  }
0x87: {  	v45 =	vor.u32 v10, v22;
	v36 =	vor.u32 s29, v9;
	v44 =	vld.idx.msk [tilespmem:v37+s12+$0x0], $0xffff;
	[tilespmem:s4+$0x40] =	vst v2  }
0x88: {  	v47 =	vor.u32 s11, v45;
	v46 =	vld.idx.msk [tilespmem:v24+s12+$0x0], $0xffff;
	[tilespmem:s1+$0x40] =	vst v0  }
0x89: {  	v50 =	vor.u32 v10, v26;
	v48 =	vor.u32 s10, v45;
	v49 =	vld.idx.msk [tilespmem:v38+s12+$0x0], $0xffff;
	[tilespmem:s6+$0x40] =	vst v5  }
0x8a: {  	v51 =	vor.u32 s17, v50;
	[tilespmem:s15+$0x50] =	vst v41;
	v5 =	vld.idx.msk [tilespmem:v27+s12+$0x0], $0xffff  }
0x8b: {  	v52 =	vor.u32 v13, v15;
	v53 =	vor.u32 s20, v50;
	v1 =	vld.idx.msk [tilespmem:v43+s12+$0x0], $0xffff;
	[tilespmem:s2+$0x60] =	vst v8  }
0x8c: {  	v55 =	vor.u32 s26, v52;
	v39 =	vld.idx.msk [tilespmem:v36+s12+$0x0], $0xffff;
	[tilespmem:s18+$0x50] =	vst v44  }
0x8d: {  	v56 =	vor.u32 v13, v20;
	v54 =	vor.u32 s28, v52;
	v11 =	vld.idx.msk [tilespmem:v47+s12+$0x0], $0xffff;
	[tilespmem:s4+$0x50] =	vst v46  }
0x8e: {  	v57 =	vor.u32 s11, v56;
	v0 =	vld.idx.msk [tilespmem:v48+s12+$0x0], $0xffff;
	[tilespmem:s1+$0x50] =	vst v49  }
0x8f: {  	v59 =	vor.u32 v13, v29;
	v58 =	vor.u32 s10, v56;
	v6 =	vld.idx.msk [tilespmem:v51+s12+$0x0], $0xffff;
	[tilespmem:s6+$0x50] =	vst v5  }
0x90: {  	v60 =	vor.u32 s17, v59;
	[tilespmem:s15+$0x60] =	vst v1;
	v3 =	vld.idx.msk [tilespmem:v53+s12+$0x0], $0xffff  }
0x91: {  	v61 =	vor.u32 s20, v59;
	[tilespmem:s3+$0x70] =	vst v39;
	v7 =	vld.idx.msk [tilespmem:v55+s12+$0x0], $0xffff  }
0x92: {  	v4 =	vld.idx.msk [tilespmem:v54+s12+$0x0], $0xffff;
	[tilespmem:s18+$0x60] =	vst v11  }
0x93: {  	v62 =	vld.idx.msk [tilespmem:v57+s12+$0x0], $0xffff;
	[tilespmem:s4+$0x60] =	vst v0  }
0x94: {  	v0 =	vld.idx.msk [tilespmem:v58+s12+$0x0], $0xffff;
	[tilespmem:s1+$0x60] =	vst v6  }
0x95: {  	s25 =	sadd.s32 $0x1, s25;
	v63 =	vld.idx.msk [tilespmem:v60+s12+$0x0], $0xffff;
	[tilespmem:s6+$0x60] =	vst v3  }
0x96: {  	p0 =	sne.s32 s25, $0x8;
	[tilespmem:s15+$0x70] =	vst v7;
	v1 =	vld.idx.msk [tilespmem:v61+s12+$0x0], $0xffff  }
.Ltmp1:
0x97: {  	[tilespmem:s2+$0x70] =	vst v4;
	(pc) =	sbr.rel @p0 .LBB2_3-.Ltmp1, $4  }
0x98: {  	[tilespmem:s18+$0x70] =	vst v62  }
0x99: {  	[tilespmem:s4+$0x70] =	vst v0  }
0x9a: {  	[tilespmem:s1+$0x70] =	vst v63  }
0x9b: {  	[tilespmem:s6+$0x70] =	vst v1  }
0x9c: {  	s0 =	sshll.u32 s24, $0xA;
	s1 =	rddreg [dreg:$0x2]  }
0x9d: {  	s31 =	simm.s32 $0xC400;
	s0 =	sadd.s32 s1, s0  }
0x9e: {  	[hbm4b:s0+s5] =	stream.linear.scatter [tilespmem:s31], [sflag:$0x3], $0x6000, $0x38;
	[tilespmem:$0x18400] =	vst v63  }
0x9f: {  	_ =	swait.ge [sflag:s16], $0x6000  }
0xa0: {  	p0 =	seq.s32 s21, $0x3;
	s0 =	rddreg [dreg:$0x7]  }
0xa1: {  	[sflag:s16] =	ssyncset.done $0x0;
	s0 =	sadd.s32 @!p0 s23, s0  }
0xa2: {  	[sflag:s16] =	ssyncadd.s32 $0xFFFFA000;
	s0 =	sshll.u32 @!p0 s0, $0xA  }
0xa3: {  	p1 =	seq.s32 @!p0 s21, $0x0;
	s1 =	rddreg [dreg:$0x0];
	s0 =	sand.u32 @!p0 $0x1FFFF800, s0  }
0xa4: {  	s2 =	simm.s32 @!p0 $0x400;
	s0 =	sadd.s32 @!p0 s1, s0;
	s1 =	simm.s32 @!p0 $0x0  }
0xa5: {  	[tilespmem:s2], [sflag:$0x1] =	stream.linear.gather @!p0 [hbm4b:s0+s1], $0x6000, $0x38;
	[tilespmem:$0x18400] =	vst v63  }
0xa6: {  	p0 =	por p0, !p1  }
0xa7: {  	s0 =	simm.s32 @p0 $0x4  }
0xa8: {  	_ =	swait.ge @p0 [sflag:s0], $0x6000  }
0xa9: {  	[sflag:s0] =	ssyncset.done @p0 $0x0  }
0xaa: {  	s23 =	simm.s32 $0x0;
	[sflag:s0] =	ssyncadd.s32 @p0 $0xFFFFA000  }
.LBB2_7:
0xab: {  	s0 =	sshll.u32 s23, $0x7  }
0xac: {  	s0 =	sand.u32 $0x3FFFFF80, s0  }
0xad: {  	v1 =	vld [tilespmem:s0+$0x0];
	_ =	sdelay $0x4  }
0xae: {  	s1 =	simm.s32 $0x0;
	s2 =	simm.s32 $0x0;
	v0 =	vshll.u32 v1, $0x3  }
0xaf: {  	s1 =	sand.u32 $0x6, s1;
	s4 =	sand.u32 $0xFFFFE000, s2;
	v3 =	vld [tilespmem:s0+$0x10];
	v0 =	vand.u32 $0xFFFFFC00, v0  }
0xb0: {  	s17 =	sshll.u32 s1, $0x7;
	v1 =	vand.u32 $0x7F, v1;
	v2 =	vadd.s32 s4, v0  }
0xb1: {  	s18 =	sor.u32 $0x80, s17;
	v4 =	vor.u32 v1, v2  }
0xb2: {  	v5 =	vor.u32 s18, v4;
	_ =	sdelay $0x1  }
0xb3: {  	v7 =	vld [tilespmem:s0+$0x20];
	v2 =	vshll.u32 v3, $0x3  }
0xb4: {  	v8 =	vld [tilespmem:s0+$0x30];
	v2 =	vand.u32 $0xFFFFFC00, v2;
	v4 =	vor.u32 s17, v4  }
0xb5: {  	v11 =	vld [tilespmem:s0+$0x40];
	v3 =	vand.u32 $0x7F, v3;
	v6 =	vadd.s32 s4, v2  }
0xb6: {  	s9 =	sshll.u32 s23, $0xC;
	s11 =	simm.s32 $0x2;
	v9 =	vor.u32 v3, v6;
	v10 =	vld.idx.msk [tilespmem:v5+s14+$0x0], $0xffff  }
0xb7: {  	s7 =	simm.s32 $0x800;
	s29 =	sshrl.u32 s9, $0x2;
	s10 =	sand.u32 $0x3FFFE000, s2;
	v12 =	vld [tilespmem:s0+$0x50];
	v14 =	vor.u32 s18, v9  }
0xb8: {  	s2 =	sand.u32 $0x6, s11;
	s6 =	sand.u32 $0xFFFFE000, s7;
	v15 =	vld [tilespmem:s0+$0x60];
	s1 =	sadd.s32 s29, s10  }
0xb9: {  	s26 =	sshll.u32 s2, $0x7;
	s3 =	sadd.s32 $0x12400, s1;
	v16 =	vadd.s32 s6, v0;
	v5 =	vshll.u32 v7, $0x3;
	v4 =	vld.idx.msk [tilespmem:v4+s14+$0x0], $0xffff  }
0xba: {  	v13 =	vld [tilespmem:s0+$0x70];
	s0 =	sor.u32 $0x80, s26;
	s1 =	sadd.s32 s18, s3;
	v16 =	vor.u32 v1, v16;
	v9 =	vor.u32 s17, v9;
	v6 =	vand.u32 $0xFFFFFC00, v5  }
0xbb: {  	s15 =	simm.s32 $0x4;
	s8 =	simm.s32 $0x1000;
	v5 =	vand.u32 $0x7F, v7;
	v7 =	vadd.s32 s4, v6;
	[tilespmem:s1+$0x0] =	vst v10;
	v10 =	vor.u32 s0, v16  }
0xbc: {  	s13 =	sand.u32 $0x3FFFE000, s7;
	s7 =	sand.u32 $0x6, s15;
	s11 =	sand.u32 $0xFFFFE000, s8;
	v7 =	vor.u32 v5, v7;
	v14 =	vld.idx.msk [tilespmem:v14+s14+$0x0], $0xffff  }
0xbd: {  	s19 =	sand.u32 $0x3FFFE000, s8;
	s9 =	simm.s32 $0x1800;
	s3 =	sadd.s32 s17, s3;
	v17 =	vor.u32 s18, v7  }
0xbe: {  	s24 =	sshll.u32 s7, $0x7;
	s7 =	sadd.s32 s29, s19;
	s19 =	sand.u32 $0xFFFFE000, s9;
	v21 =	vadd.s32 s11, v0;
	[tilespmem:s3+$0x0] =	vst v4  }
0xbf: {  	v30 =	vadd.s32 s19, v0;
	v18 =	vadd.s32 s6, v2;
	v4 =	vshll.u32 v8, $0x3;
	v19 =	vld.idx.msk [tilespmem:v9+s14+$0x0], $0xffff  }
0xc0: {  	v9 =	vand.u32 $0xFFFFFC00, v4;
	v4 =	vor.u32 v3, v18;
	v18 =	vor.u32 s17, v7;
	v10 =	vld.idx.msk [tilespmem:v10+s14+$0x0], $0xffff  }
0xc1: {  	s2 =	sadd.s32 s29, s13;
	s13 =	simm.s32 $0x6;
	v21 =	vor.u32 v1, v21;
	v30 =	vor.u32 v1, v30;
	v20 =	vor.u32 s0, v4;
	[tilespmem:s1+$0x10] =	vst v14  }
0xc2: {  	s25 =	sor.u32 $0x80, s24;
	s20 =	sadd.s32 $0x12400, s7;
	s7 =	sand.u32 $0x6, s13;
	v7 =	vand.u32 $0x7F, v8;
	v8 =	vadd.s32 s4, v9;
	v14 =	vor.u32 s26, v16;
	v16 =	vld.idx.msk [tilespmem:v17+s14+$0x0], $0xffff  }
0xc3: {  	s2 =	sadd.s32 $0x12400, s2;
	s7 =	sshll.u32 s7, $0x7;
	v23 =	vor.u32 s25, v21;
	v21 =	vor.u32 s24, v21;
	v8 =	vor.u32 v7, v8  }
0xc4: {  	s28 =	sadd.s32 s0, s2;
	v59 =	vor.u32 s7, v30;
	v26 =	vadd.s32 s11, v2;
	[tilespmem:s3+$0x10] =	vst v19;
	v17 =	vor.u32 s18, v8  }
0xc5: {  	v26 =	vor.u32 v3, v26;
	v22 =	vadd.s32 s6, v6;
	v19 =	vshll.u32 v11, $0x3;
	v18 =	vld.idx.msk [tilespmem:v18+s14+$0x0], $0xffff;
	[tilespmem:s28+$0x0] =	vst v10  }
0xc6: {  	v22 =	vor.u32 v5, v22;
	v10 =	vand.u32 $0xFFFFFC00, v19;
	v19 =	vor.u32 s17, v8;
	v20 =	vld.idx.msk [tilespmem:v20+s14+$0x0], $0xffff  }
0xc7: {  	v28 =	vor.u32 s25, v26;
	v14 =	vld.idx.msk [tilespmem:v14+s14+$0x0], $0xffff;
	[tilespmem:s1+$0x20] =	vst v16;
	v16 =	vor.u32 s0, v22  }
0xc8: {  	v23 =	vld.idx.msk [tilespmem:v23+s14+$0x0], $0xffff;
	v24 =	vor.u32 s26, v4;
	v8 =	vand.u32 $0x7F, v11;
	v11 =	vadd.s32 s4, v10  }
0xc9: {  	v26 =	vor.u32 s24, v26;
	v4 =	vshll.u32 v12, $0x3;
	v25 =	vor.u32 v8, v11;
	v17 =	vld.idx.msk [tilespmem:v17+s14+$0x0], $0xffff  }
0xca: {  	v21 =	vld.idx.msk [tilespmem:v21+s14+$0x0], $0xffff;
	v11 =	vand.u32 $0x7F, v12;
	v12 =	vand.u32 $0xFFFFFC00, v4;
	[tilespmem:s3+$0x20] =	vst v18;
	v27 =	vor.u32 s18, v25  }
0xcb: {  	s2 =	sadd.s32 s26, s2;
	v4 =	vand.u32 $0x7F, v15;
	v18 =	vadd.s32 s6, v9;
	v15 =	vshll.u32 v15, $0x3;
	v19 =	vld.idx.msk [tilespmem:v19+s14+$0x0], $0xffff;
	[tilespmem:s28+$0x10] =	vst v20  }
0xcc: {  	s30 =	sadd.s32 s25, s20;
	v20 =	vor.u32 s17, v25;
	v25 =	vor.u32 v7, v18;
	[tilespmem:s2+$0x0] =	vst v14;
	v18 =	vshll.u32 v13, $0x3;
	v16 =	vld.idx.msk [tilespmem:v16+s14+$0x0], $0xffff  }
0xcd: {  	s15 =	sand.u32 $0x3FFFE000, s9;
	[tilespmem:s30+$0x0] =	vst v23;
	v22 =	vor.u32 s26, v22;
	v15 =	vand.u32 $0xFFFFFC00, v15;
	v24 =	vld.idx.msk [tilespmem:v24+s14+$0x0], $0xffff;
	v18 =	vand.u32 $0xFFFFFC00, v18  }
0xce: {  	v54 =	vld.idx.msk [tilespmem:v59+s14+$0x0], $0xffff;
	v29 =	vadd.s32 s4, v15;
	v14 =	vadd.s32 s4, v12;
	[tilespmem:s1+$0x30] =	vst v17;
	v31 =	vadd.s32 s4, v18;
	s4 =	sadd.s32 s29, s15;
	s15 =	sadd.s32 s24, s20  }
0xcf: {  	v37 =	vadd.s32 s19, v2;
	v14 =	vor.u32 v11, v14;
	v17 =	vor.u32 s0, v25;
	v27 =	vld.idx.msk [tilespmem:v27+s14+$0x0], $0xffff;
	[tilespmem:s15+$0x0] =	vst v21  }
0xd0: {  	s10 =	sor.u32 $0x80, s7;
	v37 =	vor.u32 v3, v37;
	v42 =	vadd.s32 s19, v6;
	v28 =	vld.idx.msk [tilespmem:v28+s14+$0x0], $0xffff;
	v23 =	vor.u32 s18, v14;
	[tilespmem:s3+$0x30] =	vst v19  }
0xd1: {  	v40 =	vor.u32 s10, v37;
	v19 =	vadd.s32 s11, v6;
	[tilespmem:s28+$0x20] =	vst v16;
	v16 =	vld.idx.msk [tilespmem:v20+s14+$0x0], $0xffff;
	v20 =	vor.u32 s10, v30  }
0xd2: {  	v42 =	vor.u32 v5, v42;
	v14 =	vor.u32 s17, v14;
	v26 =	vld.idx.msk [tilespmem:v26+s14+$0x0], $0xffff;
	[tilespmem:s2+$0x10] =	vst v24;
	v24 =	vor.u32 v5, v19  }
0xd3: {  	v52 =	vor.u32 s10, v42;
	v46 =	vadd.s32 s19, v9;
	v22 =	vld.idx.msk [tilespmem:v22+s14+$0x0], $0xffff;
	v43 =	vor.u32 s24, v24  }
0xd4: {  	v19 =	vadd.s32 s6, v10;
	v17 =	vld.idx.msk [tilespmem:v17+s14+$0x0], $0xffff;
	[tilespmem:s1+$0x40] =	vst v27;
	v27 =	vor.u32 s25, v24  }
0xd5: {  	v46 =	vor.u32 v7, v46;
	[tilespmem:s30+$0x10] =	vst v28;
	v25 =	vor.u32 s26, v25;
	v33 =	vor.u32 v8, v19;
	v23 =	vld.idx.msk [tilespmem:v23+s14+$0x0], $0xffff  }
0xd6: {  	v39 =	vadd.s32 s11, v10;
	v34 =	vor.u32 s0, v33;
	v20 =	vld.idx.msk [tilespmem:v20+s14+$0x0], $0xffff;
	[tilespmem:s3+$0x40] =	vst v16;
	v16 =	vor.u32 v4, v29  }
0xd7: {  	v63 =	vor.u32 v8, v39;
	v32 =	vadd.s32 s6, v12;
	[tilespmem:s15+$0x10] =	vst v26;
	v28 =	vld.idx.msk [tilespmem:v14+s14+$0x0], $0xffff;
	v38 =	vor.u32 s18, v16  }
0xd8: {  	v55 =	vor.u32 s25, v63;
	v29 =	vadd.s32 s11, v9;
	v14 =	vadd.s32 s11, v12;
	[tilespmem:s2+$0x20] =	vst v22;
	v51 =	vld.idx.msk [tilespmem:v43+s14+$0x0], $0xffff  }
0xd9: {  	s8 =	sadd.s32 $0x12400, s4;
	[tilespmem:s28+$0x30] =	vst v17;
	v41 =	vor.u32 s17, v16;
	v29 =	vor.u32 v7, v29;
	v17 =	vadd.s32 s11, v15;
	v27 =	vld.idx.msk [tilespmem:v27+s14+$0x0], $0xffff  }
0xda: {  	v22 =	vor.u32 v11, v14;
	v25 =	vld.idx.msk [tilespmem:v25+s14+$0x0], $0xffff;
	v14 =	vadd.s32 s11, v18;
	s11 =	sadd.s32 s10, s8;
	v50 =	vor.u32 s24, v29;
	[tilespmem:s1+$0x50] =	vst v23  }
0xdb: {  	v32 =	vor.u32 v11, v32;
	v35 =	vadd.s32 s6, v15;
	v21 =	vor.u32 s25, v29;
	v34 =	vld.idx.msk [tilespmem:v34+s14+$0x0], $0xffff;
	[tilespmem:s11+$0x0] =	vst v20  }
0xdc: {  	v13 =	vand.u32 $0x7F, v13;
	v19 =	vadd.s32 s6, v18;
	s6 =	simm.s32 $0x2000;
	v33 =	vor.u32 s26, v33;
	v58 =	vld.idx.msk [tilespmem:v38+s14+$0x0], $0xffff;
	[tilespmem:s3+$0x50] =	vst v28  }
0xdd: {  	v36 =	vor.u32 s26, v32;
	s4 =	simm.s32 $0x8;
	s13 =	sand.u32 $0xFFFFE000, s6;
	v23 =	vor.u32 v13, v31;
	v20 =	vor.u32 s0, v32;
	v31 =	vld.idx.msk [tilespmem:v40+s14+$0x0], $0xffff;
	[tilespmem:s15+$0x20] =	vst v51  }
0xde: {  	v35 =	vor.u32 v4, v35;
	s20 =	sand.u32 $0x6, s4;
	v30 =	vadd.s32 s13, v0;
	v28 =	vor.u32 s18, v23;
	[tilespmem:s30+$0x20] =	vst v27;
	v60 =	vld.idx.msk [tilespmem:v41+s14+$0x0], $0xffff  }
0xdf: {  	v24 =	vadd.s32 s19, v12;
	v44 =	vor.u32 v1, v30;
	v30 =	vor.u32 s7, v37;
	s18 =	sshll.u32 s20, $0x7;
	[tilespmem:s2+$0x30] =	vst v25;
	v41 =	vld.idx.msk [tilespmem:v50+s14+$0x0], $0xffff  }
0xe0: {  	v26 =	vadd.s32 s13, v2;
	v29 =	vadd.s32 s13, v10;
	s20 =	sadd.s32 s7, s8;
	v25 =	vor.u32 s17, v23;
	s31 =	sor.u32 $0x80, s18;
	[tilespmem:s28+$0x40] =	vst v34;
	v61 =	vld.idx.msk [tilespmem:v21+s14+$0x0], $0xffff  }
0xe1: {  	v37 =	vor.u32 s24, v63;
	v16 =	vor.u32 s24, v22;
	[tilespmem:s20+$0x0] =	vst v54;
	v48 =	vld.idx.msk [tilespmem:v33+s14+$0x0], $0xffff;
	v62 =	vor.u32 s31, v44  }
0xe2: {  	v26 =	vor.u32 v3, v26;
	v40 =	vor.u32 s26, v35;
	v27 =	vadd.s32 s19, v10;
	v49 =	vld.idx.msk [tilespmem:v20+s14+$0x0], $0xffff;
	[tilespmem:s1+$0x60] =	vst v58  }
0xe3: {  	v34 =	vor.u32 s18, v44;
	v38 =	vor.u32 s18, v26;
	v21 =	vadd.s32 s19, v15;
	[tilespmem:s11+$0x10] =	vst v31;
	v53 =	vld.idx.msk [tilespmem:v28+s14+$0x0], $0xffff  }
0xe4: {  	v32 =	vadd.s32 s13, v6;
	v39 =	vor.u32 s31, v26;
	v26 =	vadd.s32 s13, v15;
	[tilespmem:s3+$0x60] =	vst v60;
	v44 =	vld.idx.msk [tilespmem:v52+s14+$0x0], $0xffff  }
0xe5: {  	s6 =	sand.u32 $0x3FFFE000, s6;
	v20 =	vadd.s32 s19, v18;
	v31 =	vadd.s32 s13, v9;
	v28 =	vadd.s32 s13, v12;
	[tilespmem:s30+$0x30] =	vst v61;
	v45 =	vld.idx.msk [tilespmem:v25+s14+$0x0], $0xffff  }
0xe6: {  	s6 =	sadd.s32 s29, s6;
	v33 =	vor.u32 v11, v28;
	v47 =	vld.idx.msk [tilespmem:v62+s14+$0x0], $0xffff;
	[tilespmem:s2+$0x40] =	vst v48;
	v28 =	vadd.s32 s13, v18;
	v48 =	vor.u32 s0, v35  }
0xe7: {  	v24 =	vor.u32 v11, v24;
	s6 =	sadd.s32 $0x12400, s6;
	v35 =	vor.u32 s7, v46;
	v46 =	vor.u32 s10, v46;
	v43 =	vld.idx.msk [tilespmem:v36+s14+$0x0], $0xffff;
	[tilespmem:s28+$0x50] =	vst v49  }
0xe8: {  	v23 =	vor.u32 s7, v24;
	s17 =	sadd.s32 s31, s6;
	v25 =	vor.u32 s18, v33;
	v36 =	vor.u32 s7, v42;
	v42 =	vld.idx.msk [tilespmem:v55+s14+$0x0], $0xffff;
	[tilespmem:s1+$0x70] =	vst v53  }
.LBB2_8:
0xe9: {  	s4 =	sadd.s32 $0x2, s4  }
0xea: {  	v49 =	vld.idx.msk [tilespmem:v30+s14+$0x0], $0xffff;
	[tilespmem:s3+$0x70] =	vst v45;
	v30 =	vmov v38;
	s3 =	smov.u32 s2;
	s2 =	smov.u32 s15;
	v38 =	vor.u32 v13, v19;
	s8 =	sshll.u32 s4, $0xA  }
0xeb: {  	v45 =	vor.u32 s25, v22;
	v22 =	vmovc v24;
	v24 =	vmov v33;
	s1 =	sand.u32 $0x6, s4;
	p0 =	slt.u32 s4, $0x16;
	[tilespmem:s17+$0x0] =	vst v47;
	v47 =	vld.idx.msk [tilespmem:v48+s14+$0x0], $0xffff;
	v50 =	vor.u32 s0, v38;
	s9 =	sand.u32 $0xFFFFE000, s8  }
0xec: {  	v19 =	vmovc v14;
	v14 =	vmovc v20;
	v20 =	vmov v28;
	s13 =	sshll.u32 s1, $0x7;
	s1 =	sand.u32 $0x3FFFE000, s8;
	v48 =	vld.idx.msk [tilespmem:v39+s14+$0x0], $0xffff;
	[tilespmem:s3+$0x50] =	vst v43;
	v43 =	vor.u32 s26, v38;
	v28 =	vadd.s32 s9, v0  }
0xed: {  	s26 =	smov.u32 s24;
	s24 =	smov.u32 s7;
	s0 =	sadd.s32 s29, s1;
	v33 =	vadd.s32 s9, v2;
	v51 =	vadd.s32 s9, v6;
	[tilespmem:s11+$0x20] =	vst v44;
	v40 =	vld.idx.msk [tilespmem:v40+s14+$0x0], $0xffff;
	v52 =	vadd.s32 s9, v9  }
0xee: {  	s7 =	smov.u32 s18;
	s18 =	smov.u32 s13;
	v28 =	vor.u32 v1, v28;
	s1 =	sadd.s32 $0x12400, s0;
	v33 =	vor.u32 v3, v33;
	v44 =	vld.idx.msk [tilespmem:v46+s14+$0x0], $0xffff;
	[tilespmem:s2+$0x30] =	vst v41;
	v46 =	vadd.s32 s9, v10  }
0xef: {  	s13 =	sor.u32 $0x80, s18;
	s0 =	smov.u32 s25;
	s25 =	smov.u32 s10;
	v41 =	vor.u32 s18, v28;
	v38 =	vor.u32 s18, v33;
	v53 =	vld.idx.msk [tilespmem:v37+s14+$0x0], $0xffff;
	[tilespmem:s30+$0x40] =	vst v42;
	v37 =	vadd.s32 s9, v12  }
0xf0: {  	s10 =	smov.u32 s31;
	v42 =	vor.u32 s13, v28;
	s8 =	sadd.s32 s13, s1;
	v39 =	vor.u32 s13, v33;
	s31 =	smov.u32 s13;
	v28 =	vor.u32 v5, v32;
	[tilespmem:s20+$0x10] =	vst v49;
	v49 =	vld.idx.msk [tilespmem:v45+s14+$0x0], $0xffff  }
0xf1: {  	s15 =	smov.u32 s20;
	v54 =	vadd.s32 s9, v15;
	v33 =	vor.u32 v11, v37;
	v57 =	vor.u32 s10, v28;
	v55 =	vld.idx.msk [tilespmem:v36+s14+$0x0], $0xffff;
	[tilespmem:s28+$0x60] =	vst v47  }
0xf2: {  	v32 =	vmov v51;
	v56 =	vor.u32 s18, v33;
	v36 =	vor.u32 s7, v28;
	[tilespmem:s17+$0x10] =	vst v48;
	v50 =	vld.idx.msk [tilespmem:v50+s14+$0x0], $0xffff  }
0xf3: {  	v45 =	vor.u32 v8, v27;
	v27 =	vmovc v29;
	v28 =	vadd.s32 s9, v18;
	v51 =	vld.idx.msk [tilespmem:v34+s14+$0x0], $0xffff;
	[tilespmem:s3+$0x60] =	vst v40;
	v34 =	vmov v41  }
0xf4: {  	v29 =	vmov v46;
	v37 =	vor.u32 s24, v45;
	v58 =	vor.u32 s25, v45;
	[tilespmem:s11+$0x30] =	vst v44;
	v45 =	vld.idx.msk [tilespmem:v43+s14+$0x0], $0xffff  }
.Ltmp2:
0xf5: {  	v41 =	vor.u32 v4, v17;
	v17 =	vmovc v21;
	v21 =	vmov v26;
	v26 =	vmov v54;
	v47 =	vld.idx.msk [tilespmem:v42+s14+$0x0], $0xffff;
	[tilespmem:s2+$0x40] =	vst v53;
	(pc) =	sbr.rel @p0 .LBB2_8-.Ltmp2, $4  }
0xf6: {  	v40 =	vor.u32 s26, v41;
	v48 =	vor.u32 s0, v41;
	v43 =	vld.idx.msk [tilespmem:v16+s14+$0x0], $0xffff;
	[tilespmem:s30+$0x50] =	vst v49;
	v16 =	vmovc v23;
	v23 =	vmovc v25;
	v25 =	vmov v56  }
0xf7: {  	v44 =	vld.idx.msk [tilespmem:v57+s14+$0x0], $0xffff;
	[tilespmem:s15+$0x20] =	vst v55  }
0xf8: {  	s20 =	sadd.s32 s7, s6;
	s6 =	smov.u32 s1;
	v42 =	vor.u32 v7, v31;
	v31 =	vmov v52;
	v41 =	vld.idx.msk [tilespmem:v35+s14+$0x0], $0xffff;
	[tilespmem:s28+$0x70] =	vst v50;
	s28 =	smov.u32 s30  }
0xf9: {  	v46 =	vor.u32 s10, v42;
	v35 =	vor.u32 s7, v42;
	s30 =	smov.u32 s11;
	s11 =	smov.u32 s17;
	s17 =	smov.u32 s8;
	[tilespmem:s20+$0x0] =	vst v51;
	v42 =	vld.idx.msk [tilespmem:v58+s14+$0x0], $0xffff  }
0xfa: {  	_ =	sdelay $0x3  }
0xfb: {  	v0 =	vld.idx.msk [tilespmem:v34+s14+$0x0], $0xffff;
	_ =	sdelay $0x3  }
0xfc: {  	v1 =	vld.idx.msk [tilespmem:v30+s14+$0x0], $0xffff;
	[tilespmem:s17+$0x0] =	vst v47;
	s1 =	sadd.s32 s18, s6  }
0xfd: {  	v3 =	vor.u32 v5, v32;
	v2 =	vld.idx.msk [tilespmem:v39+s14+$0x0], $0xffff;
	[tilespmem:s1+$0x0] =	vst v0  }
0xfe: {  	[tilespmem:s3+$0x70] =	vst v45;
	v60 =	vor.u32 s31, v3;
	v61 =	vld.idx.msk [tilespmem:v38+s14+$0x0], $0xffff  }
0xff: {  	[tilespmem:s2+$0x50] =	vst v43;
	v3 =	vor.u32 s18, v3  }
0x100: {  	[tilespmem:s11+$0x20] =	vst v44  }
0x101: {  	v6 =	vld.idx.msk [tilespmem:v48+s14+$0x0], $0xffff;
	[tilespmem:s20+$0x10] =	vst v1  }
0x102: {  	v1 =	vld.idx.msk [tilespmem:v36+s14+$0x0], $0xffff;
	[tilespmem:s17+$0x10] =	vst v2  }
0x103: {  	v62 =	vor.u32 v7, v31;
	v0 =	vld.idx.msk [tilespmem:v60+s14+$0x0], $0xffff;
	[tilespmem:s1+$0x10] =	vst v61  }
0x104: {  	v63 =	vor.u32 s31, v62;
	[tilespmem:s15+$0x30] =	vst v41;
	v3 =	vld.idx.msk [tilespmem:v3+s14+$0x0], $0xffff  }
0x105: {  	v30 =	vld.idx.msk [tilespmem:v40+s14+$0x0], $0xffff;
	[tilespmem:s30+$0x40] =	vst v42;
	v2 =	vor.u32 s18, v62  }
0x106: {  	v9 =	vor.u32 s25, v22;
	v10 =	vor.u32 v13, v19;
	v11 =	vld.idx.msk [tilespmem:v46+s14+$0x0], $0xffff;
	[tilespmem:s28+$0x60] =	vst v6  }
0x107: {  	v15 =	vor.u32 v8, v27;
	v31 =	vor.u32 s0, v10;
	v12 =	vld.idx.msk [tilespmem:v37+s14+$0x0], $0xffff;
	[tilespmem:s20+$0x20] =	vst v1  }
0x108: {  	v32 =	vor.u32 s10, v15;
	v18 =	vld.idx.msk [tilespmem:v35+s14+$0x0], $0xffff;
	[tilespmem:s17+$0x20] =	vst v0  }
0x109: {  	v34 =	vor.u32 s7, v15;
	v35 =	vor.u32 v8, v29;
	v5 =	vld.idx.msk [tilespmem:v63+s14+$0x0], $0xffff;
	[tilespmem:s1+$0x20] =	vst v3  }
0x10a: {  	[tilespmem:s2+$0x60] =	vst v30;
	v36 =	vor.u32 s31, v35;
	v2 =	vld.idx.msk [tilespmem:v2+s14+$0x0], $0xffff  }
0x10b: {  	v37 =	vld.idx.msk [tilespmem:v9+s14+$0x0], $0xffff;
	[tilespmem:s11+$0x30] =	vst v11;
	v8 =	vor.u32 s18, v35  }
0x10c: {  	v6 =	vld.idx.msk [tilespmem:v31+s14+$0x0], $0xffff;
	[tilespmem:s15+$0x40] =	vst v12  }
0x10d: {  	v38 =	vor.u32 s26, v10;
	v1 =	vld.idx.msk [tilespmem:v32+s14+$0x0], $0xffff;
	[tilespmem:s20+$0x30] =	vst v18  }
0x10e: {  	v39 =	vor.u32 s10, v24;
	v0 =	vld.idx.msk [tilespmem:v34+s14+$0x0], $0xffff;
	[tilespmem:s17+$0x30] =	vst v5  }
0x10f: {  	v3 =	vld.idx.msk [tilespmem:v36+s14+$0x0], $0xffff;
	[tilespmem:s1+$0x30] =	vst v2  }
0x110: {  	v40 =	vor.u32 s31, v33;
	[tilespmem:s30+$0x50] =	vst v37;
	v41 =	vld.idx.msk [tilespmem:v8+s14+$0x0], $0xffff  }
0x111: {  	v43 =	vor.u32 v4, v17;
	v44 =	vld.idx.msk [tilespmem:v16+s14+$0x0], $0xffff;
	[tilespmem:s28+$0x70] =	vst v6  }
0x112: {  	v45 =	vor.u32 s25, v43;
	v42 =	vld.idx.msk [tilespmem:v38+s14+$0x0], $0xffff;
	[tilespmem:s11+$0x40] =	vst v1  }
0x113: {  	v48 =	vor.u32 v4, v21;
	v46 =	vor.u32 s24, v43;
	v47 =	vld.idx.msk [tilespmem:v39+s14+$0x0], $0xffff;
	[tilespmem:s20+$0x40] =	vst v0  }
0x114: {  	v50 =	vor.u32 s10, v48;
	v49 =	vld.idx.msk [tilespmem:v23+s14+$0x0], $0xffff;
	[tilespmem:s17+$0x40] =	vst v3  }
0x115: {  	v51 =	vor.u32 v4, v26;
	v0 =	vor.u32 s7, v48;
	v2 =	vld.idx.msk [tilespmem:v40+s14+$0x0], $0xffff;
	[tilespmem:s1+$0x40] =	vst v41  }
0x116: {  	v53 =	vor.u32 s31, v51;
	[tilespmem:s15+$0x50] =	vst v44;
	v52 =	vld.idx.msk [tilespmem:v25+s14+$0x0], $0xffff  }
0x117: {  	v54 =	vor.u32 v13, v14;
	v9 =	vld.idx.msk [tilespmem:v45+s14+$0x0], $0xffff;
	[tilespmem:s2+$0x70] =	vst v42;
	v3 =	vor.u32 s18, v51  }
0x118: {  	v55 =	vor.u32 s25, v54;
	v1 =	vld.idx.msk [tilespmem:v46+s14+$0x0], $0xffff;
	[tilespmem:s11+$0x50] =	vst v47  }
0x119: {  	v56 =	vor.u32 v13, v20;
	v7 =	vor.u32 s24, v54;
	v11 =	vld.idx.msk [tilespmem:v50+s14+$0x0], $0xffff;
	[tilespmem:s20+$0x50] =	vst v49  }
0x11a: {  	v57 =	vor.u32 s10, v56;
	v0 =	vld.idx.msk [tilespmem:v0+s14+$0x0], $0xffff;
	[tilespmem:s17+$0x50] =	vst v2  }
0x11b: {  	v59 =	vor.u32 v13, v28;
	v58 =	vor.u32 s7, v56;
	v5 =	vld.idx.msk [tilespmem:v53+s14+$0x0], $0xffff;
	[tilespmem:s1+$0x50] =	vst v52  }
0x11c: {  	v60 =	vor.u32 s31, v59;
	[tilespmem:s30+$0x60] =	vst v9;
	v3 =	vld.idx.msk [tilespmem:v3+s14+$0x0], $0xffff  }
0x11d: {  	v61 =	vor.u32 s18, v59;
	v6 =	vld.idx.msk [tilespmem:v55+s14+$0x0], $0xffff;
	[tilespmem:s15+$0x60] =	vst v1  }
0x11e: {  	v7 =	vld.idx.msk [tilespmem:v7+s14+$0x0], $0xffff;
	[tilespmem:s11+$0x60] =	vst v11  }
0x11f: {  	v62 =	vld.idx.msk [tilespmem:v57+s14+$0x0], $0xffff;
	[tilespmem:s20+$0x60] =	vst v0  }
0x120: {  	v0 =	vld.idx.msk [tilespmem:v58+s14+$0x0], $0xffff;
	[tilespmem:s17+$0x60] =	vst v5  }
0x121: {  	s23 =	sadd.s32 $0x1, s23;
	v63 =	vld.idx.msk [tilespmem:v60+s14+$0x0], $0xffff;
	[tilespmem:s1+$0x60] =	vst v3  }
0x122: {  	p0 =	sne.s32 s23, $0x8;
	[tilespmem:s30+$0x70] =	vst v6;
	v1 =	vld.idx.msk [tilespmem:v61+s14+$0x0], $0xffff  }
.Ltmp3:
0x123: {  	[tilespmem:s15+$0x70] =	vst v7;
	(pc) =	sbr.rel @p0 .LBB2_7-.Ltmp3, $4  }
0x124: {  	[tilespmem:s11+$0x70] =	vst v62  }
0x125: {  	[tilespmem:s20+$0x70] =	vst v0  }
0x126: {  	[tilespmem:s17+$0x70] =	vst v63  }
0x127: {  	[tilespmem:s1+$0x70] =	vst v1  }
0x128: {  	s21 =	sadd.s32 $0x1, s21  }
0x129: {  	p0 =	sne.s32 s21, $0x4  }
.Ltmp4:
0x12a: {  	_ = 	snop;
	(pc) =	sbr.rel @p0 .LBB2_2-.Ltmp4, $4  }
0x12b: {  	_ = 	snop  }
0x12c: {  	s0 =	rddreg [dreg:$0x2]  }
0x12d: {  	s1 =	simm.s32 $0x12400;
	s0 =	sadd.s32 s0, s22  }
0x12e: {  	[hbm4b:s0+s5] =	stream.linear.scatter [tilespmem:s1], [sflag:$0x4], $0x6000, $0x38;
	[tilespmem:$0x18400] =	vst v63  }
0x12f: {  	s0 =	simm.s32 $0x3  }
0x130: {  	_ =	swait.ge [sflag:s0], $0x6000  }
0x131: {  	[sflag:s0] =	ssyncset.done $0x0  }
0x132: {  	s1 =	simm.s32 $0x4;
	[sflag:s0] =	ssyncadd.s32 $0xFFFFA000  }
0x133: {  	_ =	swait.ge [sflag:s1], $0x6000  }
0x134: {  	s2 =	rddreg [dreg:$0x9]  }
0x135: {  	s31 =	rddreg [dreg:$0x8];
	s2 =	sadd.s32 $0x1, s2  }
0x136: {  	p0 =	sne.s32 s2, s31  }
.Ltmp5:
0x137: {  	_ = 	snop;
	(pc) =	sbr.rel @p0 .LBB2_1-.Ltmp5, $3  }
0x138: {  	_ =	sdelay $0x1  }
0x139: {  	[sflag:s1] =	ssyncset.done $0x0  }
0x13a: {  	[sflag:s1] =	ssyncadd.s32 $0xFFFFA000  }
0x13b: {  	_ =	sfence.sel $0x180000  }
0x13c: {  	[bflag:$0x0] =	sbarrier.arrive $0xFFFF  }
0x13d: {  	_ =	strace $0x90000047  }
0x13e: {  	s0 =	stileid.u32;
	[bflag:$0x2] =	sbarrier.arrive $0xFFFF  }
0x13f: {  	p0 =	sne.s32 s0, $0x0;
	s0 =	rddreg [dreg:$0x3]  }
0x140: {  	s0 =	sadd.s32 @!p0 $0x100000, s0  }
0x141: {  	[sflag:s0] =	ssyncadd.tile.s32 @!p0 $0x1;
	_ =	shalt  }
.Lfunc_end2:
_tile_overlayer_lowered:
.L_overlay_start_2:
0x142: {  	(tag) =	ssettag $0x2  }
0x143: {  	s0 =	rddreg [dreg:$0x0];
	s2 =	stileid.u32  }
0x144: {  	s1 =	rddreg [dreg:$0x1];
	p0 =	sne.s32 s2, $0x0  }
0x145: {  	s3 =	rddreg [dreg:$0x2];
	[bflag:$0x3] =	sbarrier.arrive $0xFFFF;
	s2 =	simm.s32 @!p0 $0x1C05  }
0x146: {  	[timem:s3], [sflag:s2] =	dma.local @!p0 [hbm:s0], s1  }
0x147: {  	s0 =	simm.s32 @!p0 $0x5  }
0x148: {  	_ =	swait.ge @!p0 [sflag:s0], s1  }
0x149: {  	s1 =	ssub.s32 @!p0 $0x0, s1;
	[sflag:s0] =	ssyncset.done @!p0 $0x0  }
0x14a: {  	[sflag:s0] =	ssyncadd.s32 @!p0 s1  }
0x14b: {  	[bflag:$0x3] =	sbarrier.arrive $0xFFFF  }
0x14c: {  	_ =	shalt  }

</sc_bundles>
